<compile_context>
chip_gen: v7x
topology: tpu7x:2x2x1
jax: 0.10.2.dev20260603
libtpu: 0.0.44.dev20260713+nightly
codegen_flags: <defaults>
</compile_context>

<pallas_src>
import functools

import jax
import jax.numpy as jnp
from jax import lax
from jax.experimental import pallas as pl
from jax.experimental.pallas import tpu as pltpu
from jax.experimental.pallas import tpu_sc as plsc

DIM = 64
PSI = 2.0
MULT = 20.0
L = 16
NCHUNK_DIM = DIM // L

_info = plsc.get_sparse_core_info()
NC = _info.num_cores
NS = _info.num_subcores
NW = NC * NS


def _body(e_hbm, et_hbm, rcat_hbm, s_hbm, r_hbm, o_hbm, out_hbm,
          sidx, ridx, oidx, es_v, eo_v, ets_v, eto_v, rc_v, out_v, sem):
    rows_per_w = s_hbm.shape[0] // NW
    C = es_v.shape[0]
    n_chunks = rows_per_w // C
    wid = lax.axis_index("s") * NC + lax.axis_index("c")
    base = wid * rows_per_w

    pltpu.sync_copy(s_hbm.at[pl.ds(base, rows_per_w)], sidx)
    pltpu.sync_copy(r_hbm.at[pl.ds(base, rows_per_w)], ridx)
    pltpu.sync_copy(o_hbm.at[pl.ds(base, rows_per_w)], oidx)

    lane = lax.iota(jnp.int32, L)

    @pl.loop(0, n_chunks)
    def _chunk(c):
        off = c * C
        i_s = sidx.at[pl.ds(off, C)]
        i_r = ridx.at[pl.ds(off, C)]
        i_o = oidx.at[pl.ds(off, C)]
        cps = [
            pltpu.async_copy(e_hbm.at[i_s], es_v, sem),
            pltpu.async_copy(e_hbm.at[i_o], eo_v, sem),
            pltpu.async_copy(et_hbm.at[i_s], ets_v, sem),
            pltpu.async_copy(et_hbm.at[i_o], eto_v, sem),
            pltpu.async_copy(rcat_hbm.at[i_r], rc_v, sem),
        ]
        for cp in cps:
            cp.wait()

        @pl.loop(0, C // L)
        def _group(g):
            rows = g * L + lane

            def dstep(d, carry):
                (acc_b, dmx_h, pp_h, plo_h, phi_h,
                 dmx_t, pp_t, plo_t, phi_t) = carry
                dv = jnp.full((L,), 0, jnp.int32) + d
                es = plsc.load_gather(es_v, [rows, dv])
                rr = plsc.load_gather(rc_v, [rows, dv])
                eo = plsc.load_gather(eo_v, [rows, dv])
                acc_b = acc_b + es * rr * eo
                p = plsc.load_gather(ets_v, [rows, dv])
                lo = plsc.load_gather(rc_v, [rows, dv + DIM])
                w = plsc.load_gather(rc_v, [rows, dv + 2 * DIM])
                hi = lo + jnp.maximum(w, 0.0)
                m = jnp.maximum(p - hi, jnp.maximum(lo - p, 0.0))
                dmx_h = jnp.maximum(dmx_h, m)
                pp_h = pp_h + p * p
                plo_h = plo_h + p * lo
                phi_h = phi_h + p * hi
                p = plsc.load_gather(eto_v, [rows, dv])
                lo = plsc.load_gather(rc_v, [rows, dv + 3 * DIM])
                w = plsc.load_gather(rc_v, [rows, dv + 4 * DIM])
                hi = lo + jnp.maximum(w, 0.0)
                m = jnp.maximum(p - hi, jnp.maximum(lo - p, 0.0))
                dmx_t = jnp.maximum(dmx_t, m)
                pp_t = pp_t + p * p
                plo_t = plo_t + p * lo
                phi_t = phi_t + p * hi
                return (acc_b, dmx_h, pp_h, plo_h, phi_h,
                        dmx_t, pp_t, plo_t, phi_t)

            z = jnp.zeros((L,), jnp.float32)
            (acc_b, dmx_h, pp_h, plo_h, phi_h,
             dmx_t, pp_t, plo_t, phi_t) = lax.fori_loop(
                 0, DIM, dstep, (z, z, z, z, z, z, z, z, z), unroll=4)
            dh = jnp.where(dmx_h > 0.0, jnp.maximum(plo_h, phi_h), pp_h)
            dt = jnp.where(dmx_t > 0.0, jnp.maximum(plo_t, phi_t), pp_t)
            denom = ((1.0 + jnp.exp(-PSI * acc_b))
                     * (1.0 + jnp.exp(PSI * dh))
                     * (1.0 + jnp.exp(PSI * dt)))
            out_v[pl.ds(g * L, L)] = MULT / denom

        pltpu.sync_copy(out_v, out_hbm.at[pl.ds(base + off, C)])


@functools.partial(jax.jit, static_argnames=("chunk",))
def _score(e, et, rcat, s, r, o, chunk=64):
    B = s.shape[0]
    rows_per_w = B // NW
    mesh = plsc.VectorSubcoreMesh(core_axis_name="c", subcore_axis_name="s")
    return pl.kernel(
        _body,
        out_type=jax.ShapeDtypeStruct((B,), jnp.float32),
        mesh=mesh,
        compiler_params=pltpu.CompilerParams(needs_layout_passes=False,
                                             use_tc_tiling_on_sc=False),
        scratch_types=[
            pltpu.VMEM((rows_per_w,), jnp.int32),
            pltpu.VMEM((rows_per_w,), jnp.int32),
            pltpu.VMEM((rows_per_w,), jnp.int32),
            pltpu.VMEM((chunk, DIM), jnp.float32),
            pltpu.VMEM((chunk, DIM), jnp.float32),
            pltpu.VMEM((chunk, DIM), jnp.float32),
            pltpu.VMEM((chunk, DIM), jnp.float32),
            pltpu.VMEM((chunk, 5 * DIM), jnp.float32),
            pltpu.VMEM((chunk,), jnp.float32),
            pltpu.SemaphoreType.DMA,
        ],
    )(e, et, rcat, s, r, o)


def kernel(E, R, E_t, R_ht, R_ht_width, R_tt, R_tt_width, s, r, o):
    rcat = jnp.concatenate([R, R_ht, R_ht_width, R_tt, R_tt_width], axis=1)
    return _score(E, E_t, rcat,
                  s.astype(jnp.int32), r.astype(jnp.int32),
                  o.astype(jnp.int32))

# --- scband reference (transcript-rebuilt; emitter-appended) ---
"""Pipeline reference for scband-box-typed-model2-56255481643404 (READ-ONLY COPY).

The authoritative reference and input builder live on the scoring server;
editing this copy changes nothing except your own understanding.
"""

import jax, jax.numpy as jnp
import numpy as np

ENTITY = 100000
REL = 1000
DIM = 64
B = 16384
PSI = 2.0
MULT = 20.0


def compute_distance2(box_low, box_width, point):
    # delta = 0.0 in original
    box_high = box_low + box_width
    term_1 = jnp.maximum(box_low - point, 0.0)
    distance = jnp.maximum(point - box_high, term_1)
    distance = distance.max(axis=-1)
    z = (distance == 0).astype(jnp.float32)
    nz = (distance > 0).astype(jnp.float32)
    distance = z * (point * point).sum(axis=-1) + nz * jnp.maximum(
        (point * box_low).sum(axis=-1), (point * box_high).sum(axis=-1)
    )
    return distance


def setup_inputs(seed: int = 0) -> dict:
    key = jax.random.key(seed)
    ks = jax.random.split(key, 10)
    s = jax.random.randint(ks[0], (B,), 0, ENTITY, dtype=jnp.int64) if jax.config.jax_enable_x64 else jax.random.randint(ks[0], (B,), 0, ENTITY)
    r = jax.random.randint(ks[1], (B,), 0, REL)
    o = jax.random.randint(ks[2], (B,), 0, ENTITY)
    # base model (DistMult) parameters
    E = 0.05 * jax.random.normal(ks[3], (ENTITY, DIM), dtype=jnp.float32)
    R = 0.05 * jax.random.normal(ks[4], (REL, DIM), dtype=jnp.float32)
    # box-typed parameters (init normal std=0.05 as in original)
    E_t = 0.05 * jax.random.normal(ks[5], (ENTITY, DIM), dtype=jnp.float32)
    R_ht = 0.05 * jax.random.normal(ks[6], (REL, DIM), dtype=jnp.float32)
    R_ht_width = 0.05 * jax.random.normal(ks[7], (REL, DIM), dtype=jnp.float32)
    R_tt = 0.05 * jax.random.normal(ks[8], (REL, DIM), dtype=jnp.float32)
    R_tt_width = 0.05 * jax.random.normal(ks[9], (REL, DIM), dtype=jnp.float32)
    return {
        "E": E, "R": R, "E_t": E_t,
        "R_ht": R_ht, "R_ht_width": R_ht_width,
        "R_tt": R_tt, "R_tt_width": R_tt_width,
        "s": s, "r": r, "o": o,
    }


def reference(E, R, E_t, R_ht, R_ht_width, R_tt, R_tt_width, s, r, o) -> jnp.ndarray:
    # base model: DistMult score = sum(E[s] * R[r] * E[o], -1)
    base_forward = (jnp.take(E, s, axis=0) * jnp.take(R, r, axis=0) * jnp.take(E, o, axis=0)).sum(axis=-1)
    s_t = jnp.take(E_t, s, axis=0)
    o_t = jnp.take(E_t, o, axis=0)
    r_ht = jnp.take(R_ht, r, axis=0)
    r_ht_w = jax.nn.relu(jnp.take(R_ht_width, r, axis=0))
    r_tt = jnp.take(R_tt, r, axis=0)
    r_tt_w = jax.nn.relu(jnp.take(R_tt_width, r, axis=0))
    head_type_compatibility = -compute_distance2(r_ht, r_ht_w, s_t)
    tail_type_compatibility = -compute_distance2(r_tt, r_tt_w, o_t)
    base_forward = jax.nn.sigmoid(PSI * base_forward)
    head_type_compatibility = jax.nn.sigmoid(PSI * head_type_compatibility)
    tail_type_compatibility = jax.nn.sigmoid(PSI * tail_type_compatibility)
    return MULT * base_forward * head_type_compatibility * tail_type_compatibility

if __name__ == "__main__":
    import jax
    _d = setup_inputs()
    print(jax.jit(kernel)(*tuple(_d.values())))

</pallas_src>

<mosaic_0001>
#map = affine_map<(d0, d1) -> (0, 0)>
#map1 = affine_map<(d0, d1) -> (0)>
module attributes {stable_mosaic.version = 14 : i64} {
  func.func @_body(%arg0: i32, %arg1: i32, %arg2: memref<100000x64xf32, #tpu.memory_space<hbm>>, %arg3: memref<100000x64xf32, #tpu.memory_space<hbm>>, %arg4: memref<1000x320xf32, #tpu.memory_space<hbm>>, %arg5: memref<16384xi32, #tpu.memory_space<hbm>>, %arg6: memref<16384xi32, #tpu.memory_space<hbm>>, %arg7: memref<16384xi32, #tpu.memory_space<hbm>>, %arg8: memref<16384xf32, #tpu.memory_space<hbm>>, %arg9: memref<512xi32, #tpu.memory_space<vmem>>, %arg10: memref<512xi32, #tpu.memory_space<vmem>>, %arg11: memref<512xi32, #tpu.memory_space<vmem>>, %arg12: memref<64x64xf32, #tpu.memory_space<vmem>>, %arg13: memref<64x64xf32, #tpu.memory_space<vmem>>, %arg14: memref<64x64xf32, #tpu.memory_space<vmem>>, %arg15: memref<64x64xf32, #tpu.memory_space<vmem>>, %arg16: memref<64x320xf32, #tpu.memory_space<vmem>>, %arg17: memref<64xf32, #tpu.memory_space<vmem>>, %arg18: memref<!tpu.dma_semaphore, #tpu.memory_space<semaphore_mem>>) attributes {dimension_semantics = [#tpu.dimension_semantics<core_parallel>, #tpu.dimension_semantics<subcore_parallel>], iteration_bounds = array<i64: 2, 16>, scalar_prefetch = 0 : i64, scratch_operands = 10 : i64, tpu.core_type = #tpu.core_type<sc_vector_subcore>, window_params = [{transform_indices = #map}, {transform_indices = #map}, {transform_indices = #map}, {transform_indices = #map1}, {transform_indices = #map1}, {transform_indices = #map1}, {transform_indices = #map1}]} {
    %mul3A = arith.constant 2 : i32
    %mul3A_0 = arith.muli %arg1, %mul3A : i32
    %add3A = arith.addi %mul3A_0, %arg0 : i32
    %mul3A_1 = arith.constant 512 : i32
    %mul3A_2 = arith.muli %add3A, %mul3A_1 : i32
    "tpu.region"() ({
      %run_scoped3A = tpu.sem_alloc : memref<!tpu.dma_semaphore, #tpu.memory_space<semaphore_mem>>
      %dma_start3A = tpu.memref_slice %arg5[%mul3A_2] : memref<16384xi32, #tpu.memory_space<hbm>> -> memref<512xi32, #tpu.memory_space<hbm>>
      %dma_start3A_7 = tpu.memref_slice %arg5[%mul3A_2] : memref<16384xi32, #tpu.memory_space<hbm>> -> memref<512xi32, #tpu.memory_space<hbm>>
      tpu.enqueue_dma source(%dma_start3A_7 : memref<512xi32, #tpu.memory_space<hbm>>) target(%arg9 : memref<512xi32, #tpu.memory_space<vmem>>) target_semaphore(%run_scoped3A : memref<!tpu.dma_semaphore, #tpu.memory_space<semaphore_mem>>)
      %dma_wait3A = tpu.memref_slice %arg5[%mul3A_2] : memref<16384xi32, #tpu.memory_space<hbm>> -> memref<512xi32, #tpu.memory_space<hbm>>
      %dma_wait3A_8 = tpu.memref_slice %arg5[%mul3A_2] : memref<16384xi32, #tpu.memory_space<hbm>> -> memref<512xi32, #tpu.memory_space<hbm>>
      tpu.wait_dma2 semaphore(%run_scoped3A : memref<!tpu.dma_semaphore, #tpu.memory_space<semaphore_mem>>) src(%dma_wait3A_8 : memref<512xi32, #tpu.memory_space<hbm>>) dst(%arg9 : memref<512xi32, #tpu.memory_space<vmem>>)
      tpu.yield
    }) : () -> ()
    "tpu.region"() ({
      %run_scoped3A = tpu.sem_alloc : memref<!tpu.dma_semaphore, #tpu.memory_space<semaphore_mem>>
      %dma_start3A = tpu.memref_slice %arg6[%mul3A_2] : memref<16384xi32, #tpu.memory_space<hbm>> -> memref<512xi32, #tpu.memory_space<hbm>>
      %dma_start3A_7 = tpu.memref_slice %arg6[%mul3A_2] : memref<16384xi32, #tpu.memory_space<hbm>> -> memref<512xi32, #tpu.memory_space<hbm>>
      tpu.enqueue_dma source(%dma_start3A_7 : memref<512xi32, #tpu.memory_space<hbm>>) target(%arg10 : memref<512xi32, #tpu.memory_space<vmem>>) target_semaphore(%run_scoped3A : memref<!tpu.dma_semaphore, #tpu.memory_space<semaphore_mem>>)
      %dma_wait3A = tpu.memref_slice %arg6[%mul3A_2] : memref<16384xi32, #tpu.memory_space<hbm>> -> memref<512xi32, #tpu.memory_space<hbm>>
      %dma_wait3A_8 = tpu.memref_slice %arg6[%mul3A_2] : memref<16384xi32, #tpu.memory_space<hbm>> -> memref<512xi32, #tpu.memory_space<hbm>>
      tpu.wait_dma2 semaphore(%run_scoped3A : memref<!tpu.dma_semaphore, #tpu.memory_space<semaphore_mem>>) src(%dma_wait3A_8 : memref<512xi32, #tpu.memory_space<hbm>>) dst(%arg10 : memref<512xi32, #tpu.memory_space<vmem>>)
      tpu.yield
    }) : () -> ()
    "tpu.region"() ({
      %run_scoped3A = tpu.sem_alloc : memref<!tpu.dma_semaphore, #tpu.memory_space<semaphore_mem>>
      %dma_start3A = tpu.memref_slice %arg7[%mul3A_2] : memref<16384xi32, #tpu.memory_space<hbm>> -> memref<512xi32, #tpu.memory_space<hbm>>
      %dma_start3A_7 = tpu.memref_slice %arg7[%mul3A_2] : memref<16384xi32, #tpu.memory_space<hbm>> -> memref<512xi32, #tpu.memory_space<hbm>>
      tpu.enqueue_dma source(%dma_start3A_7 : memref<512xi32, #tpu.memory_space<hbm>>) target(%arg11 : memref<512xi32, #tpu.memory_space<vmem>>) target_semaphore(%run_scoped3A : memref<!tpu.dma_semaphore, #tpu.memory_space<semaphore_mem>>)
      %dma_wait3A = tpu.memref_slice %arg7[%mul3A_2] : memref<16384xi32, #tpu.memory_space<hbm>> -> memref<512xi32, #tpu.memory_space<hbm>>
      %dma_wait3A_8 = tpu.memref_slice %arg7[%mul3A_2] : memref<16384xi32, #tpu.memory_space<hbm>> -> memref<512xi32, #tpu.memory_space<hbm>>
      tpu.wait_dma2 semaphore(%run_scoped3A : memref<!tpu.dma_semaphore, #tpu.memory_space<semaphore_mem>>) src(%dma_wait3A_8 : memref<512xi32, #tpu.memory_space<hbm>>) dst(%arg11 : memref<512xi32, #tpu.memory_space<vmem>>)
      tpu.yield
    }) : () -> ()
    %iota3A = tpu.iota {dimensions = array<i32: 0>} : vector<16xi32>
    %scan3A = arith.constant 0 : i32
    %scan3A_3 = arith.constant 8 : i32
    %scan3A_4 = arith.addi %scan3A, %scan3A_3 : i32
    %scan3A_5 = arith.constant 1 : i32
    scf.for %scan3A_7 = %scan3A to %scan3A_4 step %scan3A_5  : i32 {
      %mul3A_8 = arith.constant 1 : i32
      %mul3A_9 = arith.muli %scan3A_7, %mul3A_8 : i32
      %add3A_10 = arith.constant 0 : i32
      %add3A_11 = arith.addi %add3A_10, %mul3A_9 : i32
      %mul3A_12 = arith.constant 64 : i32
      %mul3A_13 = arith.muli %add3A_11, %mul3A_12 : i32
      %dma_start3A = tpu.memref_slice %arg9[%mul3A_13] : memref<512xi32, #tpu.memory_space<vmem>> -> memref<64xi32, #tpu.memory_space<vmem>>
      %dma_start3A_14 = arith.constant 0 : i32
      %dma_start3A_15 = arith.constant 0 : i32
      %dma_start3A_16 = tpu.memref_slice %arg2[%dma_start3A_14, %dma_start3A_15] : memref<100000x64xf32, #tpu.memory_space<hbm>> -> memref<100000x64xf32, #tpu.memory_space<hbm>>
      tpu.enqueue_indirect_dma source(%dma_start3A_16 : memref<100000x64xf32, #tpu.memory_space<hbm>>) target(%arg12 : memref<64x64xf32, #tpu.memory_space<vmem>>) offsets(%dma_start3A : memref<64xi32, #tpu.memory_space<vmem>>) semaphore(%arg18 : memref<!tpu.dma_semaphore, #tpu.memory_space<semaphore_mem>>)
      %dma_start3A_17 = tpu.memref_slice %arg11[%mul3A_13] : memref<512xi32, #tpu.memory_space<vmem>> -> memref<64xi32, #tpu.memory_space<vmem>>
      %dma_start3A_18 = arith.constant 0 : i32
      %dma_start3A_19 = arith.constant 0 : i32
      %dma_start3A_20 = tpu.memref_slice %arg2[%dma_start3A_18, %dma_start3A_19] : memref<100000x64xf32, #tpu.memory_space<hbm>> -> memref<100000x64xf32, #tpu.memory_space<hbm>>
      tpu.enqueue_indirect_dma source(%dma_start3A_20 : memref<100000x64xf32, #tpu.memory_space<hbm>>) target(%arg13 : memref<64x64xf32, #tpu.memory_space<vmem>>) offsets(%dma_start3A_17 : memref<64xi32, #tpu.memory_space<vmem>>) semaphore(%arg18 : memref<!tpu.dma_semaphore, #tpu.memory_space<semaphore_mem>>)
      %dma_start3A_21 = tpu.memref_slice %arg9[%mul3A_13] : memref<512xi32, #tpu.memory_space<vmem>> -> memref<64xi32, #tpu.memory_space<vmem>>
      %dma_start3A_22 = arith.constant 0 : i32
      %dma_start3A_23 = arith.constant 0 : i32
      %dma_start3A_24 = tpu.memref_slice %arg3[%dma_start3A_22, %dma_start3A_23] : memref<100000x64xf32, #tpu.memory_space<hbm>> -> memref<100000x64xf32, #tpu.memory_space<hbm>>
      tpu.enqueue_indirect_dma source(%dma_start3A_24 : memref<100000x64xf32, #tpu.memory_space<hbm>>) target(%arg14 : memref<64x64xf32, #tpu.memory_space<vmem>>) offsets(%dma_start3A_21 : memref<64xi32, #tpu.memory_space<vmem>>) semaphore(%arg18 : memref<!tpu.dma_semaphore, #tpu.memory_space<semaphore_mem>>)
      %dma_start3A_25 = tpu.memref_slice %arg11[%mul3A_13] : memref<512xi32, #tpu.memory_space<vmem>> -> memref<64xi32, #tpu.memory_space<vmem>>
      %dma_start3A_26 = arith.constant 0 : i32
      %dma_start3A_27 = arith.constant 0 : i32
      %dma_start3A_28 = tpu.memref_slice %arg3[%dma_start3A_26, %dma_start3A_27] : memref<100000x64xf32, #tpu.memory_space<hbm>> -> memref<100000x64xf32, #tpu.memory_space<hbm>>
      tpu.enqueue_indirect_dma source(%dma_start3A_28 : memref<100000x64xf32, #tpu.memory_space<hbm>>) target(%arg15 : memref<64x64xf32, #tpu.memory_space<vmem>>) offsets(%dma_start3A_25 : memref<64xi32, #tpu.memory_space<vmem>>) semaphore(%arg18 : memref<!tpu.dma_semaphore, #tpu.memory_space<semaphore_mem>>)
      %dma_start3A_29 = tpu.memref_slice %arg10[%mul3A_13] : memref<512xi32, #tpu.memory_space<vmem>> -> memref<64xi32, #tpu.memory_space<vmem>>
      %dma_start3A_30 = arith.constant 0 : i32
      %dma_start3A_31 = arith.constant 0 : i32
      %dma_start3A_32 = tpu.memref_slice %arg4[%dma_start3A_30, %dma_start3A_31] : memref<1000x320xf32, #tpu.memory_space<hbm>> -> memref<1000x320xf32, #tpu.memory_space<hbm>>
      tpu.enqueue_indirect_dma source(%dma_start3A_32 : memref<1000x320xf32, #tpu.memory_space<hbm>>) target(%arg16 : memref<64x320xf32, #tpu.memory_space<vmem>>) offsets(%dma_start3A_29 : memref<64xi32, #tpu.memory_space<vmem>>) semaphore(%arg18 : memref<!tpu.dma_semaphore, #tpu.memory_space<semaphore_mem>>)
      %dma_wait3A = tpu.memref_slice %arg9[%mul3A_13] : memref<512xi32, #tpu.memory_space<vmem>> -> memref<64xi32, #tpu.memory_space<vmem>>
      %dma_wait3A_33 = arith.constant 0 : i32
      %dma_wait3A_34 = arith.constant 0 : i32
      %dma_wait3A_35 = tpu.memref_slice %arg2[%dma_wait3A_33, %dma_wait3A_34] : memref<100000x64xf32, #tpu.memory_space<hbm>> -> memref<100000x64xf32, #tpu.memory_space<hbm>>
      tpu.wait_indirect_dma semaphore(%arg18 : memref<!tpu.dma_semaphore, #tpu.memory_space<semaphore_mem>>) src(%dma_wait3A_35 : memref<100000x64xf32, #tpu.memory_space<hbm>>) dst(%arg12 : memref<64x64xf32, #tpu.memory_space<vmem>>)
      %dma_wait3A_36 = tpu.memref_slice %arg11[%mul3A_13] : memref<512xi32, #tpu.memory_space<vmem>> -> memref<64xi32, #tpu.memory_space<vmem>>
      %dma_wait3A_37 = arith.constant 0 : i32
      %dma_wait3A_38 = arith.constant 0 : i32
      %dma_wait3A_39 = tpu.memref_slice %arg2[%dma_wait3A_37, %dma_wait3A_38] : memref<100000x64xf32, #tpu.memory_space<hbm>> -> memref<100000x64xf32, #tpu.memory_space<hbm>>
      tpu.wait_indirect_dma semaphore(%arg18 : memref<!tpu.dma_semaphore, #tpu.memory_space<semaphore_mem>>) src(%dma_wait3A_39 : memref<100000x64xf32, #tpu.memory_space<hbm>>) dst(%arg13 : memref<64x64xf32, #tpu.memory_space<vmem>>)
      %dma_wait3A_40 = tpu.memref_slice %arg9[%mul3A_13] : memref<512xi32, #tpu.memory_space<vmem>> -> memref<64xi32, #tpu.memory_space<vmem>>
      %dma_wait3A_41 = arith.constant 0 : i32
      %dma_wait3A_42 = arith.constant 0 : i32
      %dma_wait3A_43 = tpu.memref_slice %arg3[%dma_wait3A_41, %dma_wait3A_42] : memref<100000x64xf32, #tpu.memory_space<hbm>> -> memref<100000x64xf32, #tpu.memory_space<hbm>>
      tpu.wait_indirect_dma semaphore(%arg18 : memref<!tpu.dma_semaphore, #tpu.memory_space<semaphore_mem>>) src(%dma_wait3A_43 : memref<100000x64xf32, #tpu.memory_space<hbm>>) dst(%arg14 : memref<64x64xf32, #tpu.memory_space<vmem>>)
      %dma_wait3A_44 = tpu.memref_slice %arg11[%mul3A_13] : memref<512xi32, #tpu.memory_space<vmem>> -> memref<64xi32, #tpu.memory_space<vmem>>
      %dma_wait3A_45 = arith.constant 0 : i32
      %dma_wait3A_46 = arith.constant 0 : i32
      %dma_wait3A_47 = tpu.memref_slice %arg3[%dma_wait3A_45, %dma_wait3A_46] : memref<100000x64xf32, #tpu.memory_space<hbm>> -> memref<100000x64xf32, #tpu.memory_space<hbm>>
      tpu.wait_indirect_dma semaphore(%arg18 : memref<!tpu.dma_semaphore, #tpu.memory_space<semaphore_mem>>) src(%dma_wait3A_47 : memref<100000x64xf32, #tpu.memory_space<hbm>>) dst(%arg15 : memref<64x64xf32, #tpu.memory_space<vmem>>)
      %dma_wait3A_48 = tpu.memref_slice %arg10[%mul3A_13] : memref<512xi32, #tpu.memory_space<vmem>> -> memref<64xi32, #tpu.memory_space<vmem>>
      %dma_wait3A_49 = arith.constant 0 : i32
      %dma_wait3A_50 = arith.constant 0 : i32
      %dma_wait3A_51 = tpu.memref_slice %arg4[%dma_wait3A_49, %dma_wait3A_50] : memref<1000x320xf32, #tpu.memory_space<hbm>> -> memref<1000x320xf32, #tpu.memory_space<hbm>>
      tpu.wait_indirect_dma semaphore(%arg18 : memref<!tpu.dma_semaphore, #tpu.memory_space<semaphore_mem>>) src(%dma_wait3A_51 : memref<1000x320xf32, #tpu.memory_space<hbm>>) dst(%arg16 : memref<64x320xf32, #tpu.memory_space<vmem>>)
      %scan3A_52 = arith.constant 0 : i32
      %scan3A_53 = arith.constant 4 : i32
      %scan3A_54 = arith.addi %scan3A_52, %scan3A_53 : i32
      %scan3A_55 = arith.constant 1 : i32
      scf.for %scan3A_58 = %scan3A_52 to %scan3A_54 step %scan3A_55  : i32 {
        %mul3A_59 = arith.constant 1 : i32
        %mul3A_60 = arith.muli %scan3A_58, %mul3A_59 : i32
        %add3A_61 = arith.constant 0 : i32
        %add3A_62 = arith.addi %add3A_61, %mul3A_60 : i32
        %mul3A_63 = arith.constant 16 : i32
        %mul3A_64 = arith.muli %add3A_62, %mul3A_63 : i32
        %add3A_65 = vector.broadcast %mul3A_64 : i32 to vector<16xi32>
        %add3A_66 = arith.addi %add3A_65, %iota3A : vector<16xi32>
        %broadcast_in_dim3A = arith.constant 0.000000e+00 : f32
        %broadcast_in_dim3A_67 = vector.broadcast %broadcast_in_dim3A : f32 to vector<16xf32>
        %scan3A_68 = arith.constant 0 : i32
        %scan3A_69 = arith.constant 64 : i32
        %scan3A_70 = arith.addi %scan3A_68, %scan3A_69 : i32
        %scan3A_71 = arith.constant 4 : i32
        %scan3A_72:9 = scf.for %scan3A_108 = %scan3A_68 to %scan3A_70 step %scan3A_71 iter_args(%scan3A_109 = %broadcast_in_dim3A_67, %scan3A_110 = %broadcast_in_dim3A_67, %scan3A_111 = %broadcast_in_dim3A_67, %scan3A_112 = %broadcast_in_dim3A_67, %scan3A_113 = %broadcast_in_dim3A_67, %scan3A_114 = %broadcast_in_dim3A_67, %scan3A_115 = %broadcast_in_dim3A_67, %scan3A_116 = %broadcast_in_dim3A_67, %scan3A_117 = %broadcast_in_dim3A_67) -> (vector<16xf32>, vector<16xf32>, vector<16xf32>, vector<16xf32>, vector<16xf32>, vector<16xf32>, vector<16xf32>, vector<16xf32>, vector<16xf32>)  : i32 {
          %broadcast_in_dim3A_118 = arith.constant 0 : i32
          %broadcast_in_dim3A_119 = vector.broadcast %broadcast_in_dim3A_118 : i32 to vector<16xi32>
          %add3A_120 = vector.broadcast %scan3A_108 : i32 to vector<16xi32>
          %add3A_121 = arith.addi %broadcast_in_dim3A_119, %add3A_120 : vector<16xi32>
          %gather3A = tpu.vector_load_idx %arg12[%add3A_66, %add3A_121] : memref<64x64xf32, #tpu.memory_space<vmem>>[vector<16xi32>, vector<16xi32>], vector<16xf32>,
          %gather3A_122 = tpu.vector_load_idx %arg16[%add3A_66, %add3A_121] : memref<64x320xf32, #tpu.memory_space<vmem>>[vector<16xi32>, vector<16xi32>], vector<16xf32>,
          %gather3A_123 = tpu.vector_load_idx %arg13[%add3A_66, %add3A_121] : memref<64x64xf32, #tpu.memory_space<vmem>>[vector<16xi32>, vector<16xi32>], vector<16xf32>,
          %mul3A_124 = arith.mulf %gather3A, %gather3A_122 : vector<16xf32>
          %mul3A_125 = arith.mulf %mul3A_124, %gather3A_123 : vector<16xf32>
          %add3A_126 = arith.addf %scan3A_109, %mul3A_125 : vector<16xf32>
          %gather3A_127 = tpu.vector_load_idx %arg14[%add3A_66, %add3A_121] : memref<64x64xf32, #tpu.memory_space<vmem>>[vector<16xi32>, vector<16xi32>], vector<16xf32>,
          %add3A_128 = arith.constant 64 : i32
          %add3A_129 = vector.broadcast %add3A_128 : i32 to vector<16xi32>
          %add3A_130 = arith.addi %add3A_121, %add3A_129 : vector<16xi32>
          %gather3A_131 = tpu.vector_load_idx %arg16[%add3A_66, %add3A_130] : memref<64x320xf32, #tpu.memory_space<vmem>>[vector<16xi32>, vector<16xi32>], vector<16xf32>,
          %add3A_132 = arith.constant 128 : i32
          %add3A_133 = vector.broadcast %add3A_132 : i32 to vector<16xi32>
          %add3A_134 = arith.addi %add3A_121, %add3A_133 : vector<16xi32>
          %gather3A_135 = tpu.vector_load_idx %arg16[%add3A_66, %add3A_134] : memref<64x320xf32, #tpu.memory_space<vmem>>[vector<16xi32>, vector<16xi32>], vector<16xf32>,
          %max3A_136 = arith.constant 0.000000e+00 : f32
          %max3A_137 = vector.broadcast %max3A_136 : f32 to vector<16xf32>
          %max3A_138 = arith.maximumf %gather3A_135, %max3A_137 : vector<16xf32>
          %add3A_139 = arith.addf %gather3A_131, %max3A_138 : vector<16xf32>
          %sub3A = arith.subf %gather3A_127, %add3A_139 : vector<16xf32>
          %sub3A_140 = arith.subf %gather3A_131, %gather3A_127 : vector<16xf32>
          %max3A_141 = arith.constant 0.000000e+00 : f32
          %max3A_142 = vector.broadcast %max3A_141 : f32 to vector<16xf32>
          %max3A_143 = arith.maximumf %sub3A_140, %max3A_142 : vector<16xf32>
          %max3A_144 = arith.maximumf %sub3A, %max3A_143 : vector<16xf32>
          %max3A_145 = arith.maximumf %scan3A_110, %max3A_144 : vector<16xf32>
          %mul3A_146 = arith.mulf %gather3A_127, %gather3A_127 : vector<16xf32>
          %add3A_147 = arith.addf %scan3A_111, %mul3A_146 : vector<16xf32>
          %mul3A_148 = arith.mulf %gather3A_127, %gather3A_131 : vector<16xf32>
          %add3A_149 = arith.addf %scan3A_112, %mul3A_148 : vector<16xf32>
          %mul3A_150 = arith.mulf %gather3A_127, %add3A_139 : vector<16xf32>
          %add3A_151 = arith.addf %scan3A_113, %mul3A_150 : vector<16xf32>
          %gather3A_152 = tpu.vector_load_idx %arg15[%add3A_66, %add3A_121] : memref<64x64xf32, #tpu.memory_space<vmem>>[vector<16xi32>, vector<16xi32>], vector<16xf32>,
          %add3A_153 = arith.constant 192 : i32
          %add3A_154 = vector.broadcast %add3A_153 : i32 to vector<16xi32>
          %add3A_155 = arith.addi %add3A_121, %add3A_154 : vector<16xi32>
          %gather3A_156 = tpu.vector_load_idx %arg16[%add3A_66, %add3A_155] : memref<64x320xf32, #tpu.memory_space<vmem>>[vector<16xi32>, vector<16xi32>], vector<16xf32>,
          %add3A_157 = arith.constant 256 : i32
          %add3A_158 = vector.broadcast %add3A_157 : i32 to vector<16xi32>
          %add3A_159 = arith.addi %add3A_121, %add3A_158 : vector<16xi32>
          %gather3A_160 = tpu.vector_load_idx %arg16[%add3A_66, %add3A_159] : memref<64x320xf32, #tpu.memory_space<vmem>>[vector<16xi32>, vector<16xi32>], vector<16xf32>,
          %max3A_161 = arith.constant 0.000000e+00 : f32
          %max3A_162 = vector.broadcast %max3A_161 : f32 to vector<16xf32>
          %max3A_163 = arith.maximumf %gather3A_160, %max3A_162 : vector<16xf32>
          %add3A_164 = arith.addf %gather3A_156, %max3A_163 : vector<16xf32>
          %sub3A_165 = arith.subf %gather3A_152, %add3A_164 : vector<16xf32>
          %sub3A_166 = arith.subf %gather3A_156, %gather3A_152 : vector<16xf32>
          %max3A_167 = arith.constant 0.000000e+00 : f32
          %max3A_168 = vector.broadcast %max3A_167 : f32 to vector<16xf32>
          %max3A_169 = arith.maximumf %sub3A_166, %max3A_168 : vector<16xf32>
          %max3A_170 = arith.maximumf %sub3A_165, %max3A_169 : vector<16xf32>
          %max3A_171 = arith.maximumf %scan3A_114, %max3A_170 : vector<16xf32>
          %mul3A_172 = arith.mulf %gather3A_152, %gather3A_152 : vector<16xf32>
          %add3A_173 = arith.addf %scan3A_115, %mul3A_172 : vector<16xf32>
          %mul3A_174 = arith.mulf %gather3A_152, %gather3A_156 : vector<16xf32>
          %add3A_175 = arith.addf %scan3A_116, %mul3A_174 : vector<16xf32>
          %mul3A_176 = arith.mulf %gather3A_152, %add3A_164 : vector<16xf32>
          %add3A_177 = arith.addf %scan3A_117, %mul3A_176 : vector<16xf32>
          %scan3A_178 = arith.constant 1 : i32
          %scan3A_179 = arith.addi %scan3A_108, %scan3A_178 : i32
          %broadcast_in_dim3A_180 = arith.constant 0 : i32
          %broadcast_in_dim3A_181 = vector.broadcast %broadcast_in_dim3A_180 : i32 to vector<16xi32>
          %add3A_182 = vector.broadcast %scan3A_179 : i32 to vector<16xi32>
          %add3A_183 = arith.addi %broadcast_in_dim3A_181, %add3A_182 : vector<16xi32>
          %gather3A_184 = tpu.vector_load_idx %arg12[%add3A_66, %add3A_183] : memref<64x64xf32, #tpu.memory_space<vmem>>[vector<16xi32>, vector<16xi32>], vector<16xf32>,
          %gather3A_185 = tpu.vector_load_idx %arg16[%add3A_66, %add3A_183] : memref<64x320xf32, #tpu.memory_space<vmem>>[vector<16xi32>, vector<16xi32>], vector<16xf32>,
          %gather3A_186 = tpu.vector_load_idx %arg13[%add3A_66, %add3A_183] : memref<64x64xf32, #tpu.memory_space<vmem>>[vector<16xi32>, vector<16xi32>], vector<16xf32>,
          %mul3A_187 = arith.mulf %gather3A_184, %gather3A_185 : vector<16xf32>
          %mul3A_188 = arith.mulf %mul3A_187, %gather3A_186 : vector<16xf32>
          %add3A_189 = arith.addf %add3A_126, %mul3A_188 : vector<16xf32>
          %gather3A_190 = tpu.vector_load_idx %arg14[%add3A_66, %add3A_183] : memref<64x64xf32, #tpu.memory_space<vmem>>[vector<16xi32>, vector<16xi32>], vector<16xf32>,
          %add3A_191 = arith.constant 64 : i32
          %add3A_192 = vector.broadcast %add3A_191 : i32 to vector<16xi32>
          %add3A_193 = arith.addi %add3A_183, %add3A_192 : vector<16xi32>
          %gather3A_194 = tpu.vector_load_idx %arg16[%add3A_66, %add3A_193] : memref<64x320xf32, #tpu.memory_space<vmem>>[vector<16xi32>, vector<16xi32>], vector<16xf32>,
          %add3A_195 = arith.constant 128 : i32
          %add3A_196 = vector.broadcast %add3A_195 : i32 to vector<16xi32>
          %add3A_197 = arith.addi %add3A_183, %add3A_196 : vector<16xi32>
          %gather3A_198 = tpu.vector_load_idx %arg16[%add3A_66, %add3A_197] : memref<64x320xf32, #tpu.memory_space<vmem>>[vector<16xi32>, vector<16xi32>], vector<16xf32>,
          %max3A_199 = arith.constant 0.000000e+00 : f32
          %max3A_200 = vector.broadcast %max3A_199 : f32 to vector<16xf32>
          %max3A_201 = arith.maximumf %gather3A_198, %max3A_200 : vector<16xf32>
          %add3A_202 = arith.addf %gather3A_194, %max3A_201 : vector<16xf32>
          %sub3A_203 = arith.subf %gather3A_190, %add3A_202 : vector<16xf32>
          %sub3A_204 = arith.subf %gather3A_194, %gather3A_190 : vector<16xf32>
          %max3A_205 = arith.constant 0.000000e+00 : f32
          %max3A_206 = vector.broadcast %max3A_205 : f32 to vector<16xf32>
          %max3A_207 = arith.maximumf %sub3A_204, %max3A_206 : vector<16xf32>
          %max3A_208 = arith.maximumf %sub3A_203, %max3A_207 : vector<16xf32>
          %max3A_209 = arith.maximumf %max3A_145, %max3A_208 : vector<16xf32>
          %mul3A_210 = arith.mulf %gather3A_190, %gather3A_190 : vector<16xf32>
          %add3A_211 = arith.addf %add3A_147, %mul3A_210 : vector<16xf32>
          %mul3A_212 = arith.mulf %gather3A_190, %gather3A_194 : vector<16xf32>
          %add3A_213 = arith.addf %add3A_149, %mul3A_212 : vector<16xf32>
          %mul3A_214 = arith.mulf %gather3A_190, %add3A_202 : vector<16xf32>
          %add3A_215 = arith.addf %add3A_151, %mul3A_214 : vector<16xf32>
          %gather3A_216 = tpu.vector_load_idx %arg15[%add3A_66, %add3A_183] : memref<64x64xf32, #tpu.memory_space<vmem>>[vector<16xi32>, vector<16xi32>], vector<16xf32>,
          %add3A_217 = arith.constant 192 : i32
          %add3A_218 = vector.broadcast %add3A_217 : i32 to vector<16xi32>
          %add3A_219 = arith.addi %add3A_183, %add3A_218 : vector<16xi32>
          %gather3A_220 = tpu.vector_load_idx %arg16[%add3A_66, %add3A_219] : memref<64x320xf32, #tpu.memory_space<vmem>>[vector<16xi32>, vector<16xi32>], vector<16xf32>,
          %add3A_221 = arith.constant 256 : i32
          %add3A_222 = vector.broadcast %add3A_221 : i32 to vector<16xi32>
          %add3A_223 = arith.addi %add3A_183, %add3A_222 : vector<16xi32>
          %gather3A_224 = tpu.vector_load_idx %arg16[%add3A_66, %add3A_223] : memref<64x320xf32, #tpu.memory_space<vmem>>[vector<16xi32>, vector<16xi32>], vector<16xf32>,
          %max3A_225 = arith.constant 0.000000e+00 : f32
          %max3A_226 = vector.broadcast %max3A_225 : f32 to vector<16xf32>
          %max3A_227 = arith.maximumf %gather3A_224, %max3A_226 : vector<16xf32>
          %add3A_228 = arith.addf %gather3A_220, %max3A_227 : vector<16xf32>
          %sub3A_229 = arith.subf %gather3A_216, %add3A_228 : vector<16xf32>
          %sub3A_230 = arith.subf %gather3A_220, %gather3A_216 : vector<16xf32>
          %max3A_231 = arith.constant 0.000000e+00 : f32
          %max3A_232 = vector.broadcast %max3A_231 : f32 to vector<16xf32>
          %max3A_233 = arith.maximumf %sub3A_230, %max3A_232 : vector<16xf32>
          %max3A_234 = arith.maximumf %sub3A_229, %max3A_233 : vector<16xf32>
          %max3A_235 = arith.maximumf %max3A_171, %max3A_234 : vector<16xf32>
          %mul3A_236 = arith.mulf %gather3A_216, %gather3A_216 : vector<16xf32>
          %add3A_237 = arith.addf %add3A_173, %mul3A_236 : vector<16xf32>
          %mul3A_238 = arith.mulf %gather3A_216, %gather3A_220 : vector<16xf32>
          %add3A_239 = arith.addf %add3A_175, %mul3A_238 : vector<16xf32>
          %mul3A_240 = arith.mulf %gather3A_216, %add3A_228 : vector<16xf32>
          %add3A_241 = arith.addf %add3A_177, %mul3A_240 : vector<16xf32>
          %scan3A_242 = arith.constant 2 : i32
          %scan3A_243 = arith.addi %scan3A_108, %scan3A_242 : i32
          %broadcast_in_dim3A_244 = arith.constant 0 : i32
          %broadcast_in_dim3A_245 = vector.broadcast %broadcast_in_dim3A_244 : i32 to vector<16xi32>
          %add3A_246 = vector.broadcast %scan3A_243 : i32 to vector<16xi32>
          %add3A_247 = arith.addi %broadcast_in_dim3A_245, %add3A_246 : vector<16xi32>
          %gather3A_248 = tpu.vector_load_idx %arg12[%add3A_66, %add3A_247] : memref<64x64xf32, #tpu.memory_space<vmem>>[vector<16xi32>, vector<16xi32>], vector<16xf32>,
          %gather3A_249 = tpu.vector_load_idx %arg16[%add3A_66, %add3A_247] : memref<64x320xf32, #tpu.memory_space<vmem>>[vector<16xi32>, vector<16xi32>], vector<16xf32>,
          %gather3A_250 = tpu.vector_load_idx %arg13[%add3A_66, %add3A_247] : memref<64x64xf32, #tpu.memory_space<vmem>>[vector<16xi32>, vector<16xi32>], vector<16xf32>,
          %mul3A_251 = arith.mulf %gather3A_248, %gather3A_249 : vector<16xf32>
          %mul3A_252 = arith.mulf %mul3A_251, %gather3A_250 : vector<16xf32>
          %add3A_253 = arith.addf %add3A_189, %mul3A_252 : vector<16xf32>
          %gather3A_254 = tpu.vector_load_idx %arg14[%add3A_66, %add3A_247] : memref<64x64xf32, #tpu.memory_space<vmem>>[vector<16xi32>, vector<16xi32>], vector<16xf32>,
          %add3A_255 = arith.constant 64 : i32
          %add3A_256 = vector.broadcast %add3A_255 : i32 to vector<16xi32>
          %add3A_257 = arith.addi %add3A_247, %add3A_256 : vector<16xi32>
          %gather3A_258 = tpu.vector_load_idx %arg16[%add3A_66, %add3A_257] : memref<64x320xf32, #tpu.memory_space<vmem>>[vector<16xi32>, vector<16xi32>], vector<16xf32>,
          %add3A_259 = arith.constant 128 : i32
          %add3A_260 = vector.broadcast %add3A_259 : i32 to vector<16xi32>
          %add3A_261 = arith.addi %add3A_247, %add3A_260 : vector<16xi32>
          %gather3A_262 = tpu.vector_load_idx %arg16[%add3A_66, %add3A_261] : memref<64x320xf32, #tpu.memory_space<vmem>>[vector<16xi32>, vector<16xi32>], vector<16xf32>,
          %max3A_263 = arith.constant 0.000000e+00 : f32
          %max3A_264 = vector.broadcast %max3A_263 : f32 to vector<16xf32>
          %max3A_265 = arith.maximumf %gather3A_262, %max3A_264 : vector<16xf32>
          %add3A_266 = arith.addf %gather3A_258, %max3A_265 : vector<16xf32>
          %sub3A_267 = arith.subf %gather3A_254, %add3A_266 : vector<16xf32>
          %sub3A_268 = arith.subf %gather3A_258, %gather3A_254 : vector<16xf32>
          %max3A_269 = arith.constant 0.000000e+00 : f32
          %max3A_270 = vector.broadcast %max3A_269 : f32 to vector<16xf32>
          %max3A_271 = arith.maximumf %sub3A_268, %max3A_270 : vector<16xf32>
          %max3A_272 = arith.maximumf %sub3A_267, %max3A_271 : vector<16xf32>
          %max3A_273 = arith.maximumf %max3A_209, %max3A_272 : vector<16xf32>
          %mul3A_274 = arith.mulf %gather3A_254, %gather3A_254 : vector<16xf32>
          %add3A_275 = arith.addf %add3A_211, %mul3A_274 : vector<16xf32>
          %mul3A_276 = arith.mulf %gather3A_254, %gather3A_258 : vector<16xf32>
          %add3A_277 = arith.addf %add3A_213, %mul3A_276 : vector<16xf32>
          %mul3A_278 = arith.mulf %gather3A_254, %add3A_266 : vector<16xf32>
          %add3A_279 = arith.addf %add3A_215, %mul3A_278 : vector<16xf32>
          %gather3A_280 = tpu.vector_load_idx %arg15[%add3A_66, %add3A_247] : memref<64x64xf32, #tpu.memory_space<vmem>>[vector<16xi32>, vector<16xi32>], vector<16xf32>,
          %add3A_281 = arith.constant 192 : i32
          %add3A_282 = vector.broadcast %add3A_281 : i32 to vector<16xi32>
          %add3A_283 = arith.addi %add3A_247, %add3A_282 : vector<16xi32>
          %gather3A_284 = tpu.vector_load_idx %arg16[%add3A_66, %add3A_283] : memref<64x320xf32, #tpu.memory_space<vmem>>[vector<16xi32>, vector<16xi32>], vector<16xf32>,
          %add3A_285 = arith.constant 256 : i32
          %add3A_286 = vector.broadcast %add3A_285 : i32 to vector<16xi32>
          %add3A_287 = arith.addi %add3A_247, %add3A_286 : vector<16xi32>
          %gather3A_288 = tpu.vector_load_idx %arg16[%add3A_66, %add3A_287] : memref<64x320xf32, #tpu.memory_space<vmem>>[vector<16xi32>, vector<16xi32>], vector<16xf32>,
          %max3A_289 = arith.constant 0.000000e+00 : f32
          %max3A_290 = vector.broadcast %max3A_289 : f32 to vector<16xf32>
          %max3A_291 = arith.maximumf %gather3A_288, %max3A_290 : vector<16xf32>
          %add3A_292 = arith.addf %gather3A_284, %max3A_291 : vector<16xf32>
          %sub3A_293 = arith.subf %gather3A_280, %add3A_292 : vector<16xf32>
          %sub3A_294 = arith.subf %gather3A_284, %gather3A_280 : vector<16xf32>
          %max3A_295 = arith.constant 0.000000e+00 : f32
          %max3A_296 = vector.broadcast %max3A_295 : f32 to vector<16xf32>
          %max3A_297 = arith.maximumf %sub3A_294, %max3A_296 : vector<16xf32>
          %max3A_298 = arith.maximumf %sub3A_293, %max3A_297 : vector<16xf32>
          %max3A_299 = arith.maximumf %max3A_235, %max3A_298 : vector<16xf32>
          %mul3A_300 = arith.mulf %gather3A_280, %gather3A_280 : vector<16xf32>
          %add3A_301 = arith.addf %add3A_237, %mul3A_300 : vector<16xf32>
          %mul3A_302 = arith.mulf %gather3A_280, %gather3A_284 : vector<16xf32>
          %add3A_303 = arith.addf %add3A_239, %mul3A_302 : vector<16xf32>
          %mul3A_304 = arith.mulf %gather3A_280, %add3A_292 : vector<16xf32>
          %add3A_305 = arith.addf %add3A_241, %mul3A_304 : vector<16xf32>
          %scan3A_306 = arith.constant 3 : i32
          %scan3A_307 = arith.addi %scan3A_108, %scan3A_306 : i32
          %broadcast_in_dim3A_308 = arith.constant 0 : i32
          %broadcast_in_dim3A_309 = vector.broadcast %broadcast_in_dim3A_308 : i32 to vector<16xi32>
          %add3A_310 = vector.broadcast %scan3A_307 : i32 to vector<16xi32>
          %add3A_311 = arith.addi %broadcast_in_dim3A_309, %add3A_310 : vector<16xi32>
          %gather3A_312 = tpu.vector_load_idx %arg12[%add3A_66, %add3A_311] : memref<64x64xf32, #tpu.memory_space<vmem>>[vector<16xi32>, vector<16xi32>], vector<16xf32>,
          %gather3A_313 = tpu.vector_load_idx %arg16[%add3A_66, %add3A_311] : memref<64x320xf32, #tpu.memory_space<vmem>>[vector<16xi32>, vector<16xi32>], vector<16xf32>,
          %gather3A_314 = tpu.vector_load_idx %arg13[%add3A_66, %add3A_311] : memref<64x64xf32, #tpu.memory_space<vmem>>[vector<16xi32>, vector<16xi32>], vector<16xf32>,
          %mul3A_315 = arith.mulf %gather3A_312, %gather3A_313 : vector<16xf32>
          %mul3A_316 = arith.mulf %mul3A_315, %gather3A_314 : vector<16xf32>
          %add3A_317 = arith.addf %add3A_253, %mul3A_316 : vector<16xf32>
          %gather3A_318 = tpu.vector_load_idx %arg14[%add3A_66, %add3A_311] : memref<64x64xf32, #tpu.memory_space<vmem>>[vector<16xi32>, vector<16xi32>], vector<16xf32>,
          %add3A_319 = arith.constant 64 : i32
          %add3A_320 = vector.broadcast %add3A_319 : i32 to vector<16xi32>
          %add3A_321 = arith.addi %add3A_311, %add3A_320 : vector<16xi32>
          %gather3A_322 = tpu.vector_load_idx %arg16[%add3A_66, %add3A_321] : memref<64x320xf32, #tpu.memory_space<vmem>>[vector<16xi32>, vector<16xi32>], vector<16xf32>,
          %add3A_323 = arith.constant 128 : i32
          %add3A_324 = vector.broadcast %add3A_323 : i32 to vector<16xi32>
          %add3A_325 = arith.addi %add3A_311, %add3A_324 : vector<16xi32>
          %gather3A_326 = tpu.vector_load_idx %arg16[%add3A_66, %add3A_325] : memref<64x320xf32, #tpu.memory_space<vmem>>[vector<16xi32>, vector<16xi32>], vector<16xf32>,
          %max3A_327 = arith.constant 0.000000e+00 : f32
          %max3A_328 = vector.broadcast %max3A_327 : f32 to vector<16xf32>
          %max3A_329 = arith.maximumf %gather3A_326, %max3A_328 : vector<16xf32>
          %add3A_330 = arith.addf %gather3A_322, %max3A_329 : vector<16xf32>
          %sub3A_331 = arith.subf %gather3A_318, %add3A_330 : vector<16xf32>
          %sub3A_332 = arith.subf %gather3A_322, %gather3A_318 : vector<16xf32>
          %max3A_333 = arith.constant 0.000000e+00 : f32
          %max3A_334 = vector.broadcast %max3A_333 : f32 to vector<16xf32>
          %max3A_335 = arith.maximumf %sub3A_332, %max3A_334 : vector<16xf32>
          %max3A_336 = arith.maximumf %sub3A_331, %max3A_335 : vector<16xf32>
          %max3A_337 = arith.maximumf %max3A_273, %max3A_336 : vector<16xf32>
          %mul3A_338 = arith.mulf %gather3A_318, %gather3A_318 : vector<16xf32>
          %add3A_339 = arith.addf %add3A_275, %mul3A_338 : vector<16xf32>
          %mul3A_340 = arith.mulf %gather3A_318, %gather3A_322 : vector<16xf32>
          %add3A_341 = arith.addf %add3A_277, %mul3A_340 : vector<16xf32>
          %mul3A_342 = arith.mulf %gather3A_318, %add3A_330 : vector<16xf32>
          %add3A_343 = arith.addf %add3A_279, %mul3A_342 : vector<16xf32>
          %gather3A_344 = tpu.vector_load_idx %arg15[%add3A_66, %add3A_311] : memref<64x64xf32, #tpu.memory_space<vmem>>[vector<16xi32>, vector<16xi32>], vector<16xf32>,
          %add3A_345 = arith.constant 192 : i32
          %add3A_346 = vector.broadcast %add3A_345 : i32 to vector<16xi32>
          %add3A_347 = arith.addi %add3A_311, %add3A_346 : vector<16xi32>
          %gather3A_348 = tpu.vector_load_idx %arg16[%add3A_66, %add3A_347] : memref<64x320xf32, #tpu.memory_space<vmem>>[vector<16xi32>, vector<16xi32>], vector<16xf32>,
          %add3A_349 = arith.constant 256 : i32
          %add3A_350 = vector.broadcast %add3A_349 : i32 to vector<16xi32>
          %add3A_351 = arith.addi %add3A_311, %add3A_350 : vector<16xi32>
          %gather3A_352 = tpu.vector_load_idx %arg16[%add3A_66, %add3A_351] : memref<64x320xf32, #tpu.memory_space<vmem>>[vector<16xi32>, vector<16xi32>], vector<16xf32>,
          %max3A_353 = arith.constant 0.000000e+00 : f32
          %max3A_354 = vector.broadcast %max3A_353 : f32 to vector<16xf32>
          %max3A_355 = arith.maximumf %gather3A_352, %max3A_354 : vector<16xf32>
          %add3A_356 = arith.addf %gather3A_348, %max3A_355 : vector<16xf32>
          %sub3A_357 = arith.subf %gather3A_344, %add3A_356 : vector<16xf32>
          %sub3A_358 = arith.subf %gather3A_348, %gather3A_344 : vector<16xf32>
          %max3A_359 = arith.constant 0.000000e+00 : f32
          %max3A_360 = vector.broadcast %max3A_359 : f32 to vector<16xf32>
          %max3A_361 = arith.maximumf %sub3A_358, %max3A_360 : vector<16xf32>
          %max3A_362 = arith.maximumf %sub3A_357, %max3A_361 : vector<16xf32>
          %max3A_363 = arith.maximumf %max3A_299, %max3A_362 : vector<16xf32>
          %mul3A_364 = arith.mulf %gather3A_344, %gather3A_344 : vector<16xf32>
          %add3A_365 = arith.addf %add3A_301, %mul3A_364 : vector<16xf32>
          %mul3A_366 = arith.mulf %gather3A_344, %gather3A_348 : vector<16xf32>
          %add3A_367 = arith.addf %add3A_303, %mul3A_366 : vector<16xf32>
          %mul3A_368 = arith.mulf %gather3A_344, %add3A_356 : vector<16xf32>
          %add3A_369 = arith.addf %add3A_305, %mul3A_368 : vector<16xf32>
          scf.yield %add3A_317, %max3A_337, %add3A_339, %add3A_341, %add3A_343, %max3A_363, %add3A_365, %add3A_367, %add3A_369 : vector<16xf32>, vector<16xf32>, vector<16xf32>, vector<16xf32>, vector<16xf32>, vector<16xf32>, vector<16xf32>, vector<16xf32>, vector<16xf32>
        }
        %scan3A_73 = arith.constant 64 : i32
        %gt3A = arith.constant 0.000000e+00 : f32
        %gt3A_74 = vector.broadcast %gt3A : f32 to vector<16xf32>
        %gt3A_75 = arith.cmpf ogt, %scan3A_72#1, %gt3A_74 : vector<16xf32>
        %max3A = arith.maximumf %scan3A_72#3, %scan3A_72#4 : vector<16xf32>
        %select_n3A = arith.select %gt3A_75, %max3A, %scan3A_72#2 : vector<16xi1>, vector<16xf32>
        %gt3A_76 = arith.constant 0.000000e+00 : f32
        %gt3A_77 = vector.broadcast %gt3A_76 : f32 to vector<16xf32>
        %gt3A_78 = arith.cmpf ogt, %scan3A_72#5, %gt3A_77 : vector<16xf32>
        %max3A_79 = arith.maximumf %scan3A_72#7, %scan3A_72#8 : vector<16xf32>
        %select_n3A_80 = arith.select %gt3A_78, %max3A_79, %scan3A_72#6 : vector<16xi1>, vector<16xf32>
        %mul3A_81 = arith.constant -2.000000e+00 : f32
        %mul3A_82 = vector.broadcast %mul3A_81 : f32 to vector<16xf32>
        %mul3A_83 = arith.mulf %mul3A_82, %scan3A_72#0 : vector<16xf32>
        %exp3A = math.exp %mul3A_83 : vector<16xf32>
        %add3A_84 = arith.constant 1.000000e+00 : f32
        %add3A_85 = vector.broadcast %add3A_84 : f32 to vector<16xf32>
        %add3A_86 = arith.addf %add3A_85, %exp3A : vector<16xf32>
        %mul3A_87 = arith.constant 2.000000e+00 : f32
        %mul3A_88 = vector.broadcast %mul3A_87 : f32 to vector<16xf32>
        %mul3A_89 = arith.mulf %mul3A_88, %select_n3A : vector<16xf32>
        %exp3A_90 = math.exp %mul3A_89 : vector<16xf32>
        %add3A_91 = arith.constant 1.000000e+00 : f32
        %add3A_92 = vector.broadcast %add3A_91 : f32 to vector<16xf32>
        %add3A_93 = arith.addf %add3A_92, %exp3A_90 : vector<16xf32>
        %mul3A_94 = arith.mulf %add3A_86, %add3A_93 : vector<16xf32>
        %mul3A_95 = arith.constant 2.000000e+00 : f32
        %mul3A_96 = vector.broadcast %mul3A_95 : f32 to vector<16xf32>
        %mul3A_97 = arith.mulf %mul3A_96, %select_n3A_80 : vector<16xf32>
        %exp3A_98 = math.exp %mul3A_97 : vector<16xf32>
        %add3A_99 = arith.constant 1.000000e+00 : f32
        %add3A_100 = vector.broadcast %add3A_99 : f32 to vector<16xf32>
        %add3A_101 = arith.addf %add3A_100, %exp3A_98 : vector<16xf32>
        %mul3A_102 = arith.mulf %mul3A_94, %add3A_101 : vector<16xf32>
        %div3A = arith.constant 2.000000e+01 : f32
        %div3A_103 = vector.broadcast %div3A : f32 to vector<16xf32>
        %div3A_104 = arith.divf %div3A_103, %mul3A_102 : vector<16xf32>
        %mul3A_105 = arith.constant 16 : i32
        %mul3A_106 = arith.muli %add3A_62, %mul3A_105 : i32
        %swap3A = arith.index_cast %mul3A_106 : i32 to index
        %swap3A_107 = tpu.vector_load %arg17[%swap3A] {strides = array<i32>} : memref<64xf32, #tpu.memory_space<vmem>>, vector<16xf32>,
        tpu.vector_store %arg17[%swap3A], %div3A_104 {strides = array<i32>} : memref<64xf32, #tpu.memory_space<vmem>>, vector<16xf32>,
      }
      %scan3A_56 = arith.constant 4 : i32
      %add3A_57 = arith.addi %mul3A_2, %mul3A_13 : i32
      "tpu.region"() ({
        %run_scoped3A = tpu.sem_alloc : memref<!tpu.dma_semaphore, #tpu.memory_space<semaphore_mem>>
        %dma_start3A_58 = tpu.memref_slice %arg8[%add3A_57] : memref<16384xf32, #tpu.memory_space<hbm>> -> memref<64xf32, #tpu.memory_space<hbm>>
        %dma_start3A_59 = tpu.memref_slice %arg8[%add3A_57] : memref<16384xf32, #tpu.memory_space<hbm>> -> memref<64xf32, #tpu.memory_space<hbm>>
        tpu.enqueue_dma source(%arg17 : memref<64xf32, #tpu.memory_space<vmem>>) target(%dma_start3A_59 : memref<64xf32, #tpu.memory_space<hbm>>) target_semaphore(%run_scoped3A : memref<!tpu.dma_semaphore, #tpu.memory_space<semaphore_mem>>)
        %dma_wait3A_60 = tpu.memref_slice %arg8[%add3A_57] : memref<16384xf32, #tpu.memory_space<hbm>> -> memref<64xf32, #tpu.memory_space<hbm>>
        %dma_wait3A_61 = tpu.memref_slice %arg8[%add3A_57] : memref<16384xf32, #tpu.memory_space<hbm>> -> memref<64xf32, #tpu.memory_space<hbm>>
        tpu.wait_dma2 semaphore(%run_scoped3A : memref<!tpu.dma_semaphore, #tpu.memory_space<semaphore_mem>>) src(%arg17 : memref<64xf32, #tpu.memory_space<vmem>>) dst(%dma_wait3A_61 : memref<64xf32, #tpu.memory_space<hbm>>)
        tpu.yield
      }) : () -> ()
    }
    %scan3A_6 = arith.constant 8 : i32
    return
  }
}

</mosaic_0001>

<sc_bundles>
// kernel: _score.3.cloned.1.call-start
scs
__scs_entry_jumppad:
0x0: {  	(pc) =	sbr.rel $0x88, $3  }
0x1: {  	(tag) =	ssettag $0x0;
	lr =	simm.s32 $0x1  }
0x2: {  	[smem:$0x3F9B] =	sst lr;
	_ =	strace $0xD0000000  }
0x3: {  	_ = 	snop  }
0x4: {  	_ = 	snop  }
0x5: {  	_ = 	snop  }
0x6: {  	_ = 	snop  }
0x7: {  	_ = 	snop  }
__scs_overlays_trampoline_lowered:
0x8: {  	[smem:$0x3FAA] =	sst s0  }
0x9: {  	[smem:$0x3FAB] =	sst s1  }
0xa: {  	[smem:$0x3FAC] =	sst s2  }
0xb: {  	[smem:$0x3FAD] =	sst s3  }
0xc: {  	[smem:$0x3FAE] =	sst s4  }
0xd: {  	[smem:$0x3FAF] =	sst s5  }
0xe: {  	[smem:$0x3FB0] =	sst s6  }
0xf: {  	[smem:$0x3FB1] =	sst s7  }
0x10: {  	[smem:$0x3FB2] =	sst s8  }
0x11: {  	[smem:$0x3FB3] =	sst s9;
	s0 =	simm.s32 @!p0 $0x0  }
0x12: {  	s1 =	sld [smem:$0x3F99];
	s0 =	simm.s32 @p0 $0x1  }
0x13: {  	[smem:$0x3FB4] =	sst s0;
	s0 =	simm.s32 @!p1 $0x0  }
0x14: {  	s2 =	sld [smem:$0x3F98];
	s0 =	simm.s32 @p1 $0x1  }
0x15: {  	[smem:$0x3FB5] =	sst s0;
	s0 =	simm.s32 @!p2 $0x0  }
0x16: {  	s3 =	sld [smem:$0x3FDB];
	s0 =	simm.s32 @p2 $0x1  }
0x17: {  	s4 =	simm.s32 $0x1BF5;
	[smem:$0x3FB7] =	sst s0  }
0x18: {  	s0 =	sld [smem:$0x3F9A];
	_ =	swait.ge [sflag:s4], $0x0  }
0x19: {  	s7 =	sld [smem:$0x3F9B]  }
0x1a: {  	s8 =	sadd.s32 $0xFFFFE003, lr  }
0x1b: {  	s9 =	sadd.s32 $0xFFFFFEF7, lr;
	s5 =	simm.s32 $0xFFFFFFFF;
	p2 =	slt.u32 s8, $0xFFFFF086  }
0x1c: {  	p1 =	slt.u32 s9, $0xF7A;
	s5 =	simm.s32 @!p2 $0x0  }
0x1d: {  	s5 =	simm.s32 @p1 $0x1;
	p0 =	seq.s32 s7, s2  }
0x1e: {  	s7 =	smul.u32 @!p0 $0xF7A, s2;
	p2 =	seq.s32 @!p0 s5, $0x0  }
0x1f: {  	s9 =	smul.u32 $0xF7A, s1;
	s8 =	simm.s32 @!p0 $0x1BF5;
	p2 =	por !p2, p0  }
0x20: {  	[sflag:s8] =	ssyncset.s32 @!p0 $0xFFFFF086;
	s6 =	sadd.s32 @!p0 s3, s7;
	s7 =	simm.s32 @!p0 $0x108  }
0x21: {  	s3 =	sadd.s32 s3, s9;
	s6 =	sadd.s32 @!p0 $0x88, s6;
	s7 =	simm.s32 @p2 $0x1082  }
0x22: {  	[simem:s7], [sflag:s8] =	dma.local @!p0 [hbm:s6], $0xF7A  }
0x23: {  	s9 =	sor.u32 $0xD0000000, s2;
	s6 =	simm.s32 $0x108;
	_ =	swait.ge @!p0 [sflag:s8], $0x0  }
0x24: {  	s3 =	sadd.s32 $0x88, s3;
	s6 =	simm.s32 @!p1 $0x1082;
	[sflag:s4] =	ssyncset.s32 $0xFFFFF086  }
0x25: {  	[simem:s6], [sflag:s4] =	dma.local [hbm:s3], $0xF7A  }
0x26: {  	[smem:$0x3F9B] =	sst s1;
	(tag) =	ssettag s2;
	_ =	strace s9  }
0x27: {  	s1 =	sld [smem:$0x3FAB]  }
0x28: {  	s2 =	sld [smem:$0x3FAC]  }
0x29: {  	s4 =	sld [smem:$0x3FAE]  }
0x2a: {  	p0 =	seq.s32 s5, $0x0;
	s5 =	sld [smem:$0x3FAF]  }
0x2b: {  	s6 =	sld [smem:$0x3FB0]  }
0x2c: {  	s7 =	sld [smem:$0x3FB1]  }
0x2d: {  	s3 =	simm.s32 $0x108;
	s8 =	sld [smem:$0x3FB2]  }
0x2e: {  	s3 =	simm.s32 @!p0 $0x1082;
	s9 =	sld [smem:$0x3FB3]  }
0x2f: {  	lr =	sadd.s32 s0, s3;
	s0 =	sld [smem:$0x3FAA]  }
0x30: {  	s3 =	sld [smem:$0x3FAD]  }
0x31: {  	[smem:$0x3FB6] =	sst s10  }
0x32: {  	s10 =	sld [smem:$0x3FB4];
	_ =	sdelay $0x3  }
0x33: {  	p0 =	seq.s32 s10, $0x1;
	s10 =	sld [smem:$0x3FB6];
	_ =	sdelay $0x3  }
0x34: {  	[smem:$0x3FB6] =	sst s10  }
0x35: {  	s10 =	sld [smem:$0x3FB5];
	_ =	sdelay $0x3  }
0x36: {  	p1 =	seq.s32 s10, $0x1;
	s10 =	sld [smem:$0x3FB6];
	_ =	sdelay $0x3  }
0x37: {  	[smem:$0x3FB6] =	sst s10  }
0x38: {  	s10 =	sld [smem:$0x3FB7]  }
0x39: {  	_ = 	snop;
	(pc) =	sbr.ind lr, $3  }
0x3a: {  	_ = 	snop  }
0x3b: {  	_ = 	snop  }
0x3c: {  	p2 =	seq.s32 s10, $0x1;
	s10 =	sld [smem:$0x3FB6]  }
0x3d: {  	_ =	shalt  }
0x3e: {  	_ =	shalt  }
0x3f: {  	_ =	shalt  }
0x40: {  	_ =	shalt  }
0x41: {  	_ =	shalt  }
0x42: {  	_ =	shalt  }
0x43: {  	_ =	shalt  }
0x44: {  	_ =	shalt  }
0x45: {  	_ =	shalt  }
0x46: {  	_ =	shalt  }
0x47: {  	_ =	shalt  }
0x48: {  	_ =	shalt  }
0x49: {  	_ =	shalt  }
0x4a: {  	_ =	shalt  }
0x4b: {  	_ =	shalt  }
0x4c: {  	_ =	shalt  }
0x4d: {  	_ =	shalt  }
0x4e: {  	_ =	shalt  }
0x4f: {  	_ =	shalt  }
0x50: {  	_ =	shalt  }
0x51: {  	_ =	shalt  }
0x52: {  	_ =	shalt  }
0x53: {  	_ =	shalt  }
0x54: {  	_ =	shalt  }
0x55: {  	_ =	shalt  }
0x56: {  	_ =	shalt  }
0x57: {  	_ =	shalt  }
0x58: {  	_ =	shalt  }
0x59: {  	_ =	shalt  }
0x5a: {  	_ =	shalt  }
0x5b: {  	_ =	shalt  }
0x5c: {  	_ =	shalt  }
0x5d: {  	_ =	shalt  }
0x5e: {  	_ =	shalt  }
0x5f: {  	_ =	shalt  }
0x60: {  	_ =	shalt  }
0x61: {  	_ =	shalt  }
0x62: {  	_ =	shalt  }
0x63: {  	_ =	shalt  }
0x64: {  	_ =	shalt  }
0x65: {  	_ =	shalt  }
0x66: {  	_ =	shalt  }
0x67: {  	_ =	shalt  }
0x68: {  	_ =	shalt  }
0x69: {  	_ =	shalt  }
0x6a: {  	_ =	shalt  }
0x6b: {  	_ =	shalt  }
0x6c: {  	_ =	shalt  }
0x6d: {  	_ =	shalt  }
0x6e: {  	_ =	shalt  }
0x6f: {  	_ =	shalt  }
0x70: {  	_ =	shalt  }
0x71: {  	_ =	shalt  }
0x72: {  	_ =	shalt  }
0x73: {  	_ =	shalt  }
0x74: {  	_ =	shalt  }
0x75: {  	_ =	shalt  }
0x76: {  	_ =	shalt  }
0x77: {  	_ =	shalt  }
0x78: {  	_ =	shalt  }
0x79: {  	_ =	shalt  }
0x7a: {  	_ =	shalt  }
0x7b: {  	_ =	shalt  }
0x7c: {  	_ =	shalt  }
0x7d: {  	_ =	shalt  }
0x7e: {  	_ =	shalt  }
0x7f: {  	_ =	shalt  }
0x80: {  	_ =	shalt  }
0x81: {  	_ =	shalt  }
0x82: {  	_ =	shalt  }
0x83: {  	_ =	shalt  }
0x84: {  	_ =	shalt  }
0x85: {  	_ =	shalt  }
0x86: {  	_ =	shalt  }
0x87: {  	_ =	shalt  }
.Lfunc_end0:
.L_simem_size_0:
called_computation_lowered:
.L_overlay_start_0:
0x88: {  	s2 =	sld [smem:$0x3FD9]  }
0x89: {  	s3 =	sld [smem:$0x3FFE];
	_ =	sdelay $0x1  }
0x8a: {  	s1 =	srdreg.scid  }
0x8b: {  	s0 =	sand.u32 $0x1, s1  }
0x8c: {  	s17 =	sshll.u32 s0, $0xA;
	s2 =	sadd.s32 s3, s2  }
0x8d: {  	s2 =	sadd.s32 s2, s17  }
0x8e: {  	[smem:$0x3FC2] =	sst s2  }
0x8f: {  	_ = 	snop  }
0x90: {  	s2 =	sld [smem:$0x3FC6]  }
0x91: {  	s18 =	sld [smem:$0x3FC5]  }
0x92: {  	s4 =	sld [smem:$0x3FC4]  }
0x93: {  	s5 =	sld [smem:$0x3FD0];
	(tm) =	ssettm $0x1  }
0x94: {  	s6 =	sld [smem:$0x3FFB];
	_ =	sdelay $0x3  }
0x95: {  	_ =	strace s6  }
0x96: {  	s6 =	sld [smem:$0x3FFC];
	_ =	sdelay $0x3  }
0x97: {  	_ =	strace s6  }
0x98: {  	s6 =	sld [smem:$0x3FFD];
	_ =	sdelay $0x3  }
0x99: {  	_ =	strace s6  }
0x9a: {  	_ =	strace $0x8FFFFFFF  }
0x9b: {  	s19 =	sld [smem:$0x3FDB];
	_ =	sdelay $0x1  }
0x9c: {  	s7 =	simm.s32 $_scs_section_size  }
0x9d: {  	s8 =	simm.s32 $_size__tile_overlayer_lowered;
	s9 =	simm.s32 $_tile_overlayer_lowered  }
0x9e: {  	s22 =	simm.s32 $0x1BFF;
	s21 =	sshll.u32 s9, $0x1;
	s6 =	sadd.s32 s7, s19  }
0x9f: {  	s10 =	simm.s32 $0x0;
	s20 =	sshll.u32 s8, $0x1;
	s8 =	sadd.s32 s21, s6  }
0xa0: {  	[timem:s10], [sflag:s22] =	dma.local [hbm:s8], s20  }
0xa1: {  	_ =	swait.ge [sflag:s22], s20  }
0xa2: {  	s7 =	ssub.s32 $0x0, s20;
	[sflag:s22] =	ssyncset.done $0x0  }
0xa3: {  	[sflag:s22] =	ssyncadd.s32 s7;
	_ =	sdelay $0x1  }
0xa4: {  	s23 =	simm.s32 $0x1B8B  }
0xa5: {  	_ =	swait.ge [sflag:s23], $0x1  }
0xa6: {  	[sflag:s23] =	ssyncset.done $0x0  }
0xa7: {  	s25 =	simm.s32 $0x1B8E;
	s24 =	sld [smem:$0x3FFE];
	[sflag:s23] =	ssyncadd.s32 $0xFFFFFFFF  }
0xa8: {  	s26 =	simm.s32 $execute0_lowered;
	[smem:$0x3FD2] =	sst s25  }
0xa9: {  	s8 =	sshll.u32 s26, $0x1;
	_ =	strace $0x80000046;
	[dreg:$0x1] =	wrdreg $0xFFFFFFFF  }
0xaa: {  	s28 =	simm.s32 $_size_execute0_lowered;
	s6 =	sadd.s32 s6, s8;
	[dreg:$0x0] =	wrdreg $0x0  }
0xab: {  	s8 =	sshll.u32 s28, $0x1;
	[dreg:$0x2] =	wrdreg s6  }
0xac: {  	[dreg:$0x3] =	wrdreg s8  }
0xad: {  	[dreg:$0x4] =	wrdreg $0xC0  }
0xae: {  	_ =	task [dreg:s10], $0x5FFFF  }
0xaf: {  	[dreg:$0x1] =	wrdreg $0xFFFFFFFF  }
0xb0: {  	[dreg:$0x0] =	wrdreg $0x60  }
0xb1: {  	[dreg:$0x2] =	wrdreg s24  }
0xb2: {  	[dreg:$0x3] =	wrdreg s2  }
0xb3: {  	[dreg:$0x4] =	wrdreg s18  }
0xb4: {  	[dreg:$0x5] =	wrdreg s4  }
0xb5: {  	[dreg:$0x6] =	wrdreg s5  }
0xb6: {  	[dreg:$0x7] =	wrdreg $0x9  }
0xb7: {  	_ =	task.clear_ibuf [dreg:s10], $0x8FFFF;
	_ =	strace $0x90000046  }
0xb8: {  	s29 =	simm.s32 $0x9;
	_ =	strace $0x80000048  }
0xb9: {  	_ =	swait.ge [sflag:s29], $0x1  }
0xba: {  	[sflag:s29] =	ssyncadd.s32 $0xFFFFFFFF  }
0xbb: {  	_ =	strace $0x90000048  }
0xbc: {  	_ =	sfence  }
0xbd: {  	s30 =	sld [smem:$0x0];
	_ =	sdelay $0x2  }
0xbe: {  	s31 =	sshll.u32 s1, $0xD;
	s1 =	sshrl.u32 s1, $0x2  }
0xbf: {  	s3 =	sand.u32 $0x4000, s31;
	s1 =	sadd.s32 s1, s30  }
0xc0: {  	s0 =	sor.u32 s3, s0;
	s1 =	sshll.u32 s1, $0x11  }
0xc1: {  	s0 =	sor.u32 s1, s0  }
0xc2: {  	s0 =	sadd.s32 $0x8F2B, s0  }
0xc3: {  	[sflag:s0] =	ssyncadd.remote.s32 $0x1  }
0xc4: {  	_ =	sfence.sel $0xFFFF  }
0xc5: {  	[dreg:$0x0] =	wrdreg $0xFFFFFFFF;
	(pc) =	sbr.abs _section_cstart, $3  }
0xc6: {  	[dreg:$0x1] =	wrdreg $0xFFFFFFFF  }
0xc7: {  	_ =	task.clear_ibuf [dreg:s10], $0x2FFFF;
	_ =	strace $0x9FFFFFFF  }
0xc8: {  	(tm) =	ssettm $0x7FFFFFFF  }
0xc9: {  	_ =	shalt  }
tec
execute0_lowered:
.L_overlay_start_1:
0x0: {  	(tag) =	ssettag $0x1  }
0x1: {  	s7 =	rddreg [dreg:$0x0]  }
0x2: {  	s8 =	rddreg [dreg:$0x1]  }
0x3: {  	s9 =	rddreg [dreg:$0x2]  }
0x4: {  	s10 =	rddreg [dreg:$0x3]  }
0x5: {  	s1 =	rddreg [dreg:$0x4];
	s3 =	simm.s32 $0x0;
	s4 =	srdreg.scid  }
0x6: {  	s2 =	stileid.u32;
	s14 =	simm.s32 $0x400;
	s15 =	simm.s32 $0x40  }
0x7: {  	s16 =	simm.s32 $0x600;
	s17 =	simm.s32 $0x1600;
	s18 =	simm.s32 $0x2600  }
0x8: {  	s19 =	simm.s32 $0x3600;
	s20 =	simm.s32 $0x4600;
	s21 =	simm.s32 $0x1  }
0x9: {  	s22 =	simm.s32 $0x9600;
	s23 =	simm.s32 $0x0;
	[smem:$0x7FF] =	sst s3  }
0xa: {  	s5 =	sand.u32 $0x1, s4;
	s6 =	sshll.u32 s2, $0xA;
	s4 =	sadd.s32 $0x24C200, s7  }
0xb: {  	_ =	strace $0x80000047;
	s11 =	sshll.u32 s5, $0x9;
	s12 =	ssub.s32 $0x2, s5  }
0xc: {  	s5 =	sor.u32 s11, s6;
	s6 =	sadd.s32 $0x188C00, s7;
	s31 =	sshrl.u32 s12, $0x1  }
0xd: {  	s7 =	sadd.s32 $0x2200, s7;
	s13 =	sshrl.u32 s5, $0x3;
	s11 =	ssub.s32 s12, s31  }
0xe: {  	s12 =	simm.s32 $0x2;
	s8 =	sadd.s32 s8, s13;
	s9 =	sadd.s32 s9, s13  }
0xf: {  	s10 =	sadd.s32 s10, s13;
	s11 =	smax.u32 s11, $0x1;
	s13 =	simm.s32 $0x200  }
.LBB2_1:
0x10: {  	[tilespmem:s3], [sflag:$0x2] =	stream.linear.gather [hbm4b:s8+s3], $0x200, $0x38;
	[tilespmem:$0x9640] =	vst v63  }
0x11: {  	_ =	swait.ge [sflag:s12], $0x200  }
0x12: {  	[sflag:s12] =	ssyncset.done $0x0  }
0x13: {  	[sflag:s12] =	ssyncadd.s32 $0xFFFFFE00  }
0x14: {  	[tilespmem:s13], [sflag:$0x2] =	stream.linear.gather [hbm4b:s9+s3], $0x200, $0x38;
	[tilespmem:$0x9640] =	vst v63  }
0x15: {  	_ =	swait.ge [sflag:s12], $0x200  }
0x16: {  	[sflag:s12] =	ssyncset.done $0x0  }
0x17: {  	[sflag:s12] =	ssyncadd.s32 $0xFFFFFE00  }
0x18: {  	[tilespmem:s14], [sflag:$0x2] =	stream.linear.gather [hbm4b:s10+s3], $0x200, $0x38;
	[tilespmem:$0x9640] =	vst v63  }
0x19: {  	_ =	swait.ge [sflag:s12], $0x200  }
0x1a: {  	[sflag:s12] =	ssyncset.done $0x0  }
0x1b: {  	s24 =	simm.s32 $0x0;
	[sflag:s12] =	ssyncadd.s32 $0xFFFFFE00  }
.LBB2_2:
0x1c: {  	s25 =	sshll.u32 s24, $0x6  }
0x1d: {  	[tilespmem:s16], [sflag:$0x1] =	stream.indirect.gather [hbm4b:s4+s15], $0x40, s25, s15, $0xb8;
	[tilespmem:$0x9640] =	vst v63  }
0x1e: {  	s26 =	sadd.s32 $0x400, s25  }
0x1f: {  	[tilespmem:s17], [sflag:$0x1] =	stream.indirect.gather [hbm4b:s4+s15], $0x40, s26, s15, $0xb8;
	[tilespmem:$0x9640] =	vst v63  }
0x20: {  	_ = 	snop  }
0x21: {  	[tilespmem:s18], [sflag:$0x1] =	stream.indirect.gather [hbm4b:s6+s15], $0x40, s25, s15, $0xb8;
	[tilespmem:$0x9640] =	vst v63  }
0x22: {  	_ = 	snop  }
0x23: {  	[tilespmem:s19], [sflag:$0x1] =	stream.indirect.gather [hbm4b:s6+s15], $0x40, s26, s15, $0xb8;
	[tilespmem:$0x9640] =	vst v63  }
0x24: {  	s31 =	sadd.s32 $0x200, s25  }
0x25: {  	[tilespmem:s20], [sflag:$0x1] =	stream.indirect.gather [hbm4b:s7+s15], $0x140, s31, s15, $0xb8;
	[tilespmem:$0x9640] =	vst v63  }
0x26: {  	_ =	swait.ge [sflag:s21], $0x1000  }
0x27: {  	[sflag:s21] =	ssyncset.done $0x0  }
0x28: {  	[sflag:s21] =	ssyncadd.s32 $0xFFFFF000  }
0x29: {  	_ =	swait.ge [sflag:s21], $0x1000  }
0x2a: {  	[sflag:s21] =	ssyncset.done $0x0  }
0x2b: {  	[sflag:s21] =	ssyncadd.s32 $0xFFFFF000  }
0x2c: {  	_ =	swait.ge [sflag:s21], $0x1000  }
0x2d: {  	[sflag:s21] =	ssyncset.done $0x0  }
0x2e: {  	[sflag:s21] =	ssyncadd.s32 $0xFFFFF000  }
0x2f: {  	_ =	swait.ge [sflag:s21], $0x1000  }
0x30: {  	[sflag:s21] =	ssyncset.done $0x0  }
0x31: {  	[sflag:s21] =	ssyncadd.s32 $0xFFFFF000  }
0x32: {  	_ =	swait.ge [sflag:s21], $0x5000  }
0x33: {  	[sflag:s21] =	ssyncset.done $0x0  }
0x34: {  	s28 =	simm.s32 $0x0;
	s26 =	simm.s32 $0x0;
	[sflag:s21] =	ssyncadd.s32 $0xFFFFB000  }
.LBB2_3:
0x35: {  	s29 =	sshll.u32 s28, $0x4;
	v0 =	vlaneseq.u32  }
0x36: {  	s30 =	simm.s32 $0x1;
	v2 =	vor.u32 s29, v0  }
0x37: {  	v4 =	vmov s30;
	v1 =	vmul.u32 $0x140, v2  }
0x38: {  	v5 =	vand.u32 $0x3D, v4  }
0x39: {  	v2 =	vshll.u32 v2, $0x6;
	v6 =	vor.u32 v1, v5  }
0x3a: {  	s30 =	simm.s32 $0x2;
	v5 =	vor.u32 v2, v5  }
0x3b: {  	v10 =	vmov s30  }
0x3c: {  	v12 =	vand.u32 $0x3E, v10  }
0x3d: {  	v15 =	vor.u32 v2, v12  }
0x3e: {  	v8 =	vand.u32 $0x38, v4;
	v3 =	vadd.s32 $0x100, v1;
	v11 =	vld.idx.msk [tilespmem:v6+s20+$0x0], $0xffff  }
0x3f: {  	v9 =	vand.u32 $0x5, v4;
	v4 =	vor.u32 v8, v3;
	v13 =	vld.idx.msk [tilespmem:v5+s16+$0x0], $0xffff  }
0x40: {  	s30 =	simm.s32 $0x3;
	v7 =	vor.u32 v9, v4;
	v16 =	vld.idx.msk [tilespmem:v5+s18+$0x0], $0xffff  }
0x41: {  	v17 =	vmov s30;
	v18 =	vand.u32 $0x38, v10;
	v10 =	vand.u32 $0x6, v10;
	v20 =	vld.idx.msk [tilespmem:v5+s17+$0x0], $0xffff  }
0x42: {  	v21 =	vand.u32 $0x38, v17;
	v12 =	vor.u32 v1, v12;
	v4 =	vadd.s32 $0xC0, v1;
	v25 =	vld.idx.msk [tilespmem:v15+s18+$0x0], $0xffff  }
0x43: {  	v22 =	vand.u32 $0x7, v17;
	v17 =	vand.u32 $0x3F, v17;
	v14 =	vor.u32 v21, v4;
	v26 =	vld.idx.msk [tilespmem:v15+s19+$0x0], $0xffff  }
0x44: {  	v30 =	vor.u32 v2, v17;
	v24 =	vor.u32 v22, v14;
	v6 =	vor.u32 v18, v3;
	v29 =	vld.idx.msk [tilespmem:v15+s16+$0x0], $0xffff  }
0x45: {  	v33 =	vor.u32 v21, v3;
	v23 =	vor.u32 v10, v6;
	v6 =	vadd.s32 $0x80, v1;
	v19 =	vld.idx.msk [tilespmem:v7+s20+$0x0], $0xffff  }
0x46: {  	v17 =	vor.u32 v1, v17;
	v7 =	vld.idx.msk [tilespmem:v5+s19+$0x0], $0xffff;
	v5 =	vadd.s32 $0x40, v1;
	v28 =	vor.u32 v21, v6  }
0x47: {  	v33 =	vor.u32 v22, v33;
	v12 =	vld.idx.msk [tilespmem:v12+s20+$0x0], $0xffff;
	v31 =	vor.u32 v8, v5;
	v28 =	vor.u32 v22, v28  }
0x48: {  	v27 =	vor.u32 v8, v4;
	v32 =	vld.idx.msk [tilespmem:v15+s17+$0x0], $0xffff;
	v8 =	vor.u32 v8, v6;
	v31 =	vor.u32 v9, v31  }
0x49: {  	v14 =	vimm.f32 $0.0e+00;
	v15 =	vor.u32 v18, v4;
	v39 =	vld.idx.msk [tilespmem:v24+s20+$0x0], $0xffff;
	v8 =	vor.u32 v9, v8  }
0x4a: {  	v9 =	vor.u32 v9, v27;
	v35 =	vmul.f32 v11, v13;
	v11 =	vor.u32 v10, v15;
	v34 =	vld.idx.msk [tilespmem:v23+s20+$0x0], $0xffff  }
0x4b: {  	v13 =	vor.u32 v18, v5;
	v15 =	vor.u32 v21, v5;
	v18 =	vor.u32 v18, v6;
	v23 =	vld.idx.msk [tilespmem:v30+s18+$0x0], $0xffff  }
0x4c: {  	v47 =	vmul.f32 v12, v29;
	v13 =	vor.u32 v10, v13;
	v10 =	vor.u32 v10, v18;
	v18 =	vld.idx.msk [tilespmem:v28+s20+$0x0], $0xffff  }
0x4d: {  	v15 =	vor.u32 v22, v15;
	v41 =	vmax.f32 v19, $0.0e+00;
	v19 =	vmov s26;
	v21 =	vld.idx.msk [tilespmem:v31+s20+$0x0], $0xffff  }
0x4e: {  	v24 =	vand.u32 $0x38, v19;
	v28 =	vand.u32 $0x4, v19;
	v19 =	vand.u32 $0x3C, v19;
	v8 =	vld.idx.msk [tilespmem:v8+s20+$0x0], $0xffff  }
0x4f: {  	v42 =	vor.u32 v1, v19;
	v27 =	vor.u32 v24, v3;
	v58 =	vor.u32 v2, v19;
	v19 =	vld.idx.msk [tilespmem:v33+s20+$0x0], $0xffff  }
0x50: {  	v55 =	vor.u32 v24, v5;
	v33 =	vmul.f32 v25, v25;
	v31 =	vld.idx.msk [tilespmem:v11+s20+$0x0], $0xffff;
	v11 =	vor.u32 v24, v6  }
0x51: {  	v44 =	vor.u32 v28, v27;
	v27 =	vld.idx.msk [tilespmem:v30+s19+$0x0], $0xffff;
	v37 =	vor.u32 v28, v11;
	v11 =	vor.u32 v24, v4  }
0x52: {  	v45 =	vor.u32 v28, v55;
	v22 =	vmax.f32 v34, $0.0e+00;
	v52 =	vld.idx.msk [tilespmem:v15+s20+$0x0], $0xffff;
	v60 =	vor.u32 v28, v11  }
0x53: {  	v46 =	vld.idx.msk [tilespmem:v13+s20+$0x0], $0xffff;
	v28 =	vmul.f32 v7, v7;
	v18 =	vmax.f32 v18, $0.0e+00;
	v13 =	vsub.f32 v21, v16  }
0x54: {  	v24 =	vld.idx.msk [tilespmem:v10+s20+$0x0], $0xffff;
	v11 =	vmul.f32 v21, v16;
	v10 =	vmax.f32 v8, $0.0e+00;
	v8 =	vmul.f32 v23, v23  }
0x55: {  	v48 =	vld.idx.msk [tilespmem:v9+s20+$0x0], $0xffff;
	v12 =	vadd.f32 v22, v31;
	v22 =	vsub.f32 v31, v26;
	v9 =	vmul.f32 v31, v26  }
0x56: {  	v15 =	vadd.f32 v10, v21;
	v10 =	vmul.f32 v26, v26;
	v62 =	vsub.f32 v39, v27  }
0x57: {  	v31 =	vmax.f32 v13, $0.0e+00;
	v61 =	vsub.f32 v52, v23;
	v55 =	vadd.f32 v18, v52  }
0x58: {  	v13 =	vmul.f32 v46, v25;
	v18 =	vsub.f32 v46, v25;
	v49 =	vsub.f32 v26, v12  }
0x59: {  	v50 =	vld.idx.msk [tilespmem:v17+s20+$0x0], $0xffff;
	v29 =	vmul.f32 v12, v26;
	v12 =	vmax.f32 v19, $0.0e+00;
	v36 =	vmul.f32 v15, v16  }
0x5a: {  	v34 =	vld.idx.msk [tilespmem:v58+s18+$0x0], $0xffff;
	v17 =	vmax.f32 v22, $0.0e+00;
	v54 =	vsub.f32 v16, v15;
	v26 =	vmul.f32 v48, v7  }
0x5b: {  	v19 =	vmax.f32 v24, $0.0e+00;
	v24 =	vmul.f32 v20, v35;
	v15 =	vmul.f32 v52, v23  }
0x5c: {  	v21 =	vld.idx.msk [tilespmem:v30+s16+$0x0], $0xffff;
	v35 =	vimm.f32 $0.0e+00;
	v40 =	vadd.f32 v12, v39;
	v12 =	vsub.f32 v48, v7  }
0x5d: {  	v53 =	vld.idx.msk [tilespmem:v45+s20+$0x0], $0xffff;
	v20 =	vadd.f32 v19, v46;
	v19 =	vmul.f32 v32, v47;
	v47 =	vmul.f32 v16, v16  }
0x5e: {  	v22 =	vld.idx.msk [tilespmem:v30+s17+$0x0], $0xffff;
	v46 =	vmax.f32 v62, $0.0e+00;
	v18 =	vmax.f32 v18, $0.0e+00;
	v32 =	vimm.f32 $0.0e+00  }
0x5f: {  	v30 =	vld.idx.msk [tilespmem:v37+s20+$0x0], $0xffff;
	v17 =	vmax.f32 v49, v17;
	v51 =	vmul.f32 v34, v34;
	v45 =	vmax.f32 v54, v31  }
0x60: {  	v38 =	vld.idx.msk [tilespmem:v58+s19+$0x0], $0xffff;
	v54 =	vmul.f32 v55, v23;
	v31 =	vimm.f32 $0.0e+00;
	v37 =	vsub.f32 v27, v40  }
0x61: {  	v16 =	vld.idx.msk [tilespmem:v44+s20+$0x0], $0xffff;
	v43 =	vmax.f32 v12, $0.0e+00;
	v12 =	vmul.f32 v39, v27;
	v21 =	vmul.f32 v50, v21  }
0x62: {  	v49 =	vld.idx.msk [tilespmem:v60+s20+$0x0], $0xffff;
	v50 =	vadd.f32 v41, v48;
	v63 =	vsub.f32 v25, v20;
	v52 =	vmul.f32 v20, v25  }
0x63: {  	v39 =	vmax.f32 v61, $0.0e+00;
	v25 =	vmul.f32 v27, v27;
	v48 =	vmul.f32 v53, v34  }
0x64: {  	v42 =	vld.idx.msk [tilespmem:v42+s20+$0x0], $0xffff;
	v20 =	vimm.f32 $0.0e+00;
	v57 =	vmax.f32 v30, $0.0e+00;
	v22 =	vmul.f32 v22, v21  }
0x65: {  	v59 =	vld.idx.msk [tilespmem:v58+s16+$0x0], $0xffff;
	v56 =	vsub.f32 v7, v50;
	v41 =	vmax.f32 v63, v18;
	v18 =	vimm.f32 $0.0e+00  }
0x66: {  	v21 =	vimm.f32 $0.0e+00;
	v30 =	vimm.f32 $0.0e+00;
	v60 =	vmax.f32 v16, $0.0e+00  }
0x67: {  	s30 =	simm.s32 $0x4;
	v58 =	vld.idx.msk [tilespmem:v58+s17+$0x0], $0xffff;
	v16 =	vimm.f32 $0.0e+00;
	v44 =	vmul.f32 v49, v38;
	v61 =	vsub.f32 v49, v38  }
.LBB2_4:
0x68: {  	s0 =	sadd.s32 $0x3, s30  }
0x69: {  	p0 =	slt.u32 s30, $0x3C;
	v57 =	vadd.f32 v57, v53;
	v62 =	vmul.f32 v38, v38;
	v23 =	vsub.f32 v23, v55;
	s31 =	smov.u32 s30;
	s30 =	sadd.s32 $0x4, s30  }
0x6a: {  	v59 =	vmul.f32 v42, v59;
	v55 =	vmov s0;
	v61 =	vmax.f32 v61, $0.0e+00  }
0x6b: {  	v53 =	vsub.f32 v53, v34;
	v42 =	vand.u32 $0x3F, v55;
	v63 =	vmul.f32 v57, v34  }
0x6c: {  	v14 =	vadd.f32 v51, v14;
	v49 =	vadd.f32 v60, v49;
	v58 =	vmul.f32 v58, v59  }
0x6d: {  	v43 =	vmax.f32 v56, v43;
	v27 =	vmul.f32 v40, v27;
	v18 =	vadd.f32 v63, v18  }
0x6e: {  	v7 =	vmul.f32 v50, v7;
	s0 =	sadd.s32 $0x1, s31;
	v40 =	vmul.f32 v49, v38;
	v35 =	vadd.f32 v58, v35  }
0x6f: {  	v50 =	vmov s0;
	v14 =	vadd.f32 v47, v14;
	v18 =	vadd.f32 v36, v18  }
0x70: {  	v38 =	vsub.f32 v38, v49;
	v21 =	vadd.f32 v40, v21;
	v36 =	vand.u32 $0x3D, v50  }
0x71: {  	v34 =	vsub.f32 v34, v57;
	v40 =	vor.u32 v1, v36;
	v18 =	vadd.f32 v52, v18  }
0x72: {  	v47 =	vmax.f32 v53, $0.0e+00;
	v32 =	vadd.f32 v62, v32;
	v7 =	vadd.f32 v7, v21  }
0x73: {  	v21 =	vmax.f32 v34, v47;
	v34 =	vmax.f32 v37, v46;
	v18 =	vadd.f32 v54, v18  }
0x74: {  	v30 =	vadd.f32 v48, v30;
	v28 =	vadd.f32 v28, v32;
	v16 =	vmax.f32 v16, v21  }
0x75: {  	v31 =	vadd.f32 v44, v31;
	v32 =	vand.u32 $0x7, v55;
	v16 =	vmax.f32 v16, v45  }
0x76: {  	v21 =	vand.u32 $0x38, v50;
	v36 =	vor.u32 v2, v36;
	v7 =	vadd.f32 v29, v7  }
0x77: {  	v29 =	vand.u32 $0x5, v50;
	v37 =	vor.u32 v21, v3;
	v16 =	vmax.f32 v16, v41  }
0x78: {  	s0 =	sadd.s32 $0x2, s31;
	v23 =	vmax.f32 v23, v39;
	v44 =	vor.u32 v21, v4;
	v37 =	vor.u32 v29, v37  }
0x79: {  	v45 =	vmov s0;
	v41 =	vor.u32 v21, v5;
	v16 =	vmax.f32 v16, v23  }
0x7a: {  	v46 =	vand.u32 $0x3E, v45;
	v23 =	vld.idx.msk [tilespmem:v40+s20+$0x0], $0xffff;
	v40 =	vor.u32 v21, v6;
	v21 =	vadd.f32 v27, v7  }
0x7b: {  	v47 =	vand.u32 $0x38, v45;
	v48 =	vor.u32 v2, v46;
	v7 =	vmax.f32 v38, v61;
	v27 =	vld.idx.msk [tilespmem:v36+s16+$0x0], $0xffff  }
0x7c: {  	v26 =	vadd.f32 v26, v31;
	v38 =	vand.u32 $0x6, v45;
	v45 =	vor.u32 v47, v3;
	v39 =	vld.idx.msk [tilespmem:v36+s18+$0x0], $0xffff  }
0x7d: {  	v49 =	vor.u32 v47, v4;
	v45 =	vor.u32 v38, v45;
	v20 =	vmax.f32 v20, v7;
	v31 =	vld.idx.msk [tilespmem:v37+s20+$0x0], $0xffff  }
0x7e: {  	v24 =	vadd.f32 v24, v35;
	v50 =	vand.u32 $0x38, v55;
	v46 =	vor.u32 v1, v46;
	v37 =	vld.idx.msk [tilespmem:v36+s17+$0x0], $0xffff  }
0x7f: {  	v11 =	vadd.f32 v11, v30;
	v35 =	vor.u32 v50, v4;
	v7 =	vld.idx.msk [tilespmem:v36+s19+$0x0], $0xffff;
	v36 =	vor.u32 v50, v3  }
0x80: {  	v51 =	vor.u32 v29, v41;
	v30 =	vor.u32 v32, v35;
	v41 =	vld.idx.msk [tilespmem:v48+s18+$0x0], $0xffff;
	v36 =	vor.u32 v32, v36  }
0x81: {  	v14 =	vadd.f32 v33, v14;
	v52 =	vmul.f32 v23, v27;
	v23 =	vor.u32 v50, v6;
	v53 =	vld.idx.msk [tilespmem:v48+s19+$0x0], $0xffff  }
0x82: {  	v9 =	vadd.f32 v9, v26;
	v54 =	vor.u32 v2, v42;
	v27 =	vor.u32 v32, v23;
	v33 =	vld.idx.msk [tilespmem:v48+s16+$0x0], $0xffff  }
0x83: {  	v11 =	vadd.f32 v13, v11;
	v23 =	vor.u32 v50, v5;
	v55 =	vmax.f32 v31, $0.0e+00;
	v48 =	vld.idx.msk [tilespmem:v48+s17+$0x0], $0xffff  }
0x84: {  	v10 =	vadd.f32 v10, v28;
	v13 =	vor.u32 v47, v5;
	v26 =	vor.u32 v47, v6;
	v45 =	vld.idx.msk [tilespmem:v45+s20+$0x0], $0xffff  }
0x85: {  	v19 =	vadd.f32 v19, v24;
	v28 =	vor.u32 v29, v40;
	v13 =	vor.u32 v38, v13;
	v47 =	vld.idx.msk [tilespmem:v30+s20+$0x0], $0xffff  }
0x86: {  	v40 =	vor.u32 v38, v49;
	v20 =	vmax.f32 v20, v43;
	v24 =	vld.idx.msk [tilespmem:v46+s20+$0x0], $0xffff;
	v46 =	vor.u32 v32, v23  }
0x87: {  	v26 =	vor.u32 v38, v26;
	v17 =	vmax.f32 v20, v17;
	v30 =	vadd.f32 v15, v11;
	v56 =	vld.idx.msk [tilespmem:v54+s17+$0x0], $0xffff  }
0x88: {  	v14 =	vadd.f32 v8, v14;
	v15 =	vor.u32 v29, v44;
	v32 =	vadd.f32 v25, v10;
	v23 =	vld.idx.msk [tilespmem:v54+s18+$0x0], $0xffff  }
0x89: {  	v35 =	vadd.f32 v22, v19;
	v20 =	vmax.f32 v17, v34;
	v31 =	vadd.f32 v12, v9;
	v25 =	vld.idx.msk [tilespmem:v27+s20+$0x0], $0xffff  }
0x8a: {  	v8 =	vmov s31;
	v12 =	vor.u32 v1, v42;
	v9 =	vmax.f32 v45, $0.0e+00;
	v10 =	vld.idx.msk [tilespmem:v51+s20+$0x0], $0xffff  }
0x8b: {  	v17 =	vand.u32 $0x4, v8;
	v11 =	vand.u32 $0x38, v8;
	v8 =	vand.u32 $0x3C, v8;
	v19 =	vld.idx.msk [tilespmem:v40+s20+$0x0], $0xffff  }
0x8c: {  	v22 =	vor.u32 v1, v8;
	v29 =	vor.u32 v11, v3;
	v27 =	vor.u32 v11, v6;
	v28 =	vld.idx.msk [tilespmem:v28+s20+$0x0], $0xffff  }
0x8d: {  	v34 =	vor.u32 v11, v5;
	v43 =	vor.u32 v17, v29;
	v42 =	vor.u32 v17, v27;
	v27 =	vld.idx.msk [tilespmem:v54+s19+$0x0], $0xffff  }
0x8e: {  	v44 =	vor.u32 v2, v8;
	v8 =	vor.u32 v11, v4;
	v45 =	vor.u32 v17, v34;
	v34 =	vld.idx.msk [tilespmem:v36+s20+$0x0], $0xffff  }
0x8f: {  	v17 =	vor.u32 v17, v8;
	v60 =	vld.idx.msk [tilespmem:v13+s20+$0x0], $0xffff  }
0x90: {  	v33 =	vmul.f32 v24, v33;
	v8 =	vsub.f32 v10, v39;
	v11 =	vmul.f32 v10, v39;
	v50 =	vld.idx.msk [tilespmem:v15+s20+$0x0], $0xffff  }
0x91: {  	v13 =	vadd.f32 v9, v19;
	v24 =	vsub.f32 v19, v53;
	v9 =	vmul.f32 v19, v53;
	v15 =	vld.idx.msk [tilespmem:v26+s20+$0x0], $0xffff  }
0x92: {  	v19 =	vmax.f32 v28, $0.0e+00;
	v61 =	vmax.f32 v8, $0.0e+00;
	v8 =	vmul.f32 v23, v23;
	v46 =	vld.idx.msk [tilespmem:v46+s20+$0x0], $0xffff  }
0x93: {  	v28 =	vmul.f32 v7, v7;
	v19 =	vadd.f32 v19, v10;
	v10 =	vmul.f32 v53, v53;
	v51 =	vld.idx.msk [tilespmem:v54+s16+$0x0], $0xffff  }
0x94: {  	v29 =	vmul.f32 v13, v53;
	v54 =	vsub.f32 v53, v13;
	v53 =	vld.idx.msk [tilespmem:v12+s20+$0x0], $0xffff;
	v12 =	vmax.f32 v34, $0.0e+00  }
0x95: {  	v57 =	vmax.f32 v24, $0.0e+00;
	v36 =	vmul.f32 v19, v39;
	v13 =	vmul.f32 v60, v41;
	v34 =	vld.idx.msk [tilespmem:v44+s18+$0x0], $0xffff  }
0x96: {  	v25 =	vmax.f32 v25, $0.0e+00;
	v62 =	vsub.f32 v39, v19;
	v40 =	vadd.f32 v12, v47;
	v38 =	vld.idx.msk [tilespmem:v44+s19+$0x0], $0xffff  }
0x97: {  	v12 =	vsub.f32 v50, v7;
	v26 =	vmul.f32 v50, v7;
	v19 =	vmax.f32 v15, $0.0e+00;
	v63 =	vld.idx.msk [tilespmem:v42+s20+$0x0], $0xffff  }
0x98: {  	v24 =	vmul.f32 v37, v52;
	v15 =	vmul.f32 v46, v23;
	v37 =	vsub.f32 v27, v40;
	v0 =	vld.idx.msk [tilespmem:v43+s20+$0x0], $0xffff  }
0x99: {  	v52 =	vadd.f32 v19, v60;
	v43 =	vmax.f32 v12, $0.0e+00;
	v12 =	vmul.f32 v47, v27;
	v42 =	vld.idx.msk [tilespmem:v22+s20+$0x0], $0xffff  }
0x9a: {  	v19 =	vmul.f32 v48, v33;
	v22 =	vmul.f32 v53, v51;
	v49 =	vld.idx.msk [tilespmem:v17+s20+$0x0], $0xffff;
	v17 =	vmax.f32 v54, v57  }
0x9b: {  	v48 =	vsub.f32 v47, v27;
	v51 =	vmul.f32 v34, v34;
	v53 =	vld.idx.msk [tilespmem:v45+s20+$0x0], $0xffff;
	v45 =	vsub.f32 v46, v23  }
0x9c: {  	v50 =	vadd.f32 v55, v50;
	v47 =	vmul.f32 v39, v39;
	v54 =	vsub.f32 v41, v52;
	v59 =	vld.idx.msk [tilespmem:v44+s16+$0x0], $0xffff  }
0x9d: {  	v55 =	vadd.f32 v25, v46;
	v22 =	vmul.f32 v56, v22;
	v57 =	vmax.f32 v63, $0.0e+00;
	v58 =	vld.idx.msk [tilespmem:v44+s17+$0x0], $0xffff  }
.Ltmp0:
0x9e: {  	v33 =	vmul.f32 v41, v41;
	v56 =	vsub.f32 v60, v41;
	v39 =	vmax.f32 v45, $0.0e+00;
	(pc) =	sbr.rel @p0 .LBB2_4-.Ltmp0, $4  }
0x9f: {  	v25 =	vmul.f32 v27, v27;
	v52 =	vmul.f32 v52, v41;
	v46 =	vmax.f32 v48, $0.0e+00  }
0xa0: {  	v45 =	vmax.f32 v62, v61;
	v41 =	vmax.f32 v56, $0.0e+00;
	v44 =	vmul.f32 v49, v38  }
0xa1: {  	v56 =	vsub.f32 v7, v50;
	v41 =	vmax.f32 v54, v41;
	v48 =	vmul.f32 v53, v34  }
0xa2: {  	v60 =	vmax.f32 v0, $0.0e+00;
	v54 =	vmul.f32 v55, v23;
	v61 =	vsub.f32 v49, v38  }
0xa3: {  	v0 =	vadd.f32 v57, v53;
	v1 =	vmul.f32 v42, v59;
	v4 =	vsub.f32 v23, v55  }
0xa4: {  	v3 =	vmul.f32 v38, v38;
	v5 =	vadd.f32 v60, v49;
	v14 =	vadd.f32 v51, v14  }
0xa5: {  	v63 =	vmax.f32 v56, v43;
	v7 =	vmul.f32 v50, v7;
	v49 =	vmul.f32 v40, v27  }
0xa6: {  	v51 =	vadd.f32 v48, v30;
	v6 =	vmax.f32 v61, $0.0e+00;
	v61 =	vsub.f32 v53, v34  }
0xa7: {  	v2 =	vmul.f32 v0, v34;
	v1 =	vmul.f32 v58, v1;
	v14 =	vadd.f32 v47, v14  }
0xa8: {  	v62 =	vmul.f32 v5, v38;
	v0 =	vsub.f32 v34, v0;
	v5 =	vsub.f32 v38, v5  }
0xa9: {  	v50 =	vmax.f32 v37, v46;
	v3 =	vadd.f32 v3, v32;
	v11 =	vadd.f32 v11, v51  }
0xaa: {  	v4 =	vmax.f32 v4, v39;
	v2 =	vadd.f32 v2, v18;
	v1 =	vadd.f32 v1, v35  }
0xab: {  	v21 =	vadd.f32 v62, v21;
	v18 =	vmax.f32 v61, $0.0e+00;
	v3 =	vadd.f32 v28, v3  }
0xac: {  	v53 =	vadd.f32 v33, v14;
	v5 =	vmax.f32 v5, v6;
	v55 =	vadd.f32 v13, v11  }
0xad: {  	v0 =	vmax.f32 v0, v18;
	v2 =	vadd.f32 v36, v2;
	v7 =	vadd.f32 v7, v21  }
0xae: {  	v5 =	vmax.f32 v20, v5;
	v1 =	vadd.f32 v24, v1;
	v3 =	vadd.f32 v10, v3  }
0xaf: {  	v0 =	vmax.f32 v16, v0;
	v2 =	vadd.f32 v52, v2;
	v52 =	vadd.f32 v44, v31  }
0xb0: {  	v0 =	vmax.f32 v0, v45;
	v7 =	vadd.f32 v29, v7;
	v1 =	vadd.f32 v19, v1  }
0xb1: {  	v0 =	vmax.f32 v0, v41;
	v3 =	vadd.f32 v25, v3;
	v21 =	vadd.f32 v26, v52  }
0xb2: {  	v0 =	vmax.f32 v0, v4;
	v4 =	vadd.f32 v8, v53;
	v2 =	vadd.f32 v54, v2  }
0xb3: {  	v5 =	vmax.f32 v5, v63;
	v54 =	vadd.f32 v9, v21;
	v9 =	vadd.f32 v15, v55  }
0xb4: {  	v5 =	vmax.f32 v5, v17;
	v7 =	vadd.f32 v49, v7;
	v1 =	vadd.f32 v22, v1  }
0xb5: {  	vm0 =	vgt.f32 v0, $0.0e+00;
	v6 =	vadd.f32 v12, v54;
	v56 =	vmax.f32 v9, v2  }
0xb6: {  	v57 =	vmax.f32 v5, v50;
	v1 =	vmul.f32 $-2.000000000e+00, v1;
	v0 =	vsel vm0, v56, v4  }
0xb7: {  	vm15 =	vgt.f32 v57, $0.0e+00;
	v58 =	vmax.f32 v6, v7;
	v0 =	vadd.f32 v0, v0  }
0xb8: {  	v1 =	vmul.f32 $1.442695020e+00, v1;
	v2 =	vsel vm15, v58, v3  }
0xb9: {  	v0 =	vmul.f32 $1.442695020e+00, v0;
	v2 =	vadd.f32 v2, v2  }
0xba: {  	(erf) = vpow2.f32 v1  }
0xbb: {  	(erf) = vpow2.f32 v0;
	v59 =	vmul.f32 $1.442695020e+00, v2;
	_ =	sdelay $0x1  }
0xbc: {  	(erf) = vpow2.f32 v59;
	_ =	sdelay $0x5  }
0xbd: {  	v60 =	vpop (erf)  }
0xbe: {  	v61 =	vpop (erf)  }
0xbf: {  	v0 =	vadd.f32 $1.000000000e+00, v60;
	v1 =	vadd.f32 $1.000000000e+00, v61  }
0xc0: {  	v62 =	vpop (erf)  }
0xc1: {  	v0 =	vmul.f32 v1, v0;
	v63 =	vadd.f32 $1.000000000e+00, v62;
	_ =	sdelay $0x1  }
0xc2: {  	v0 =	vmul.f32 v63, v0;
	_ =	sdelay $0x1  }
0xc3: {  	(erf) = vrcp.f32 v0;
	_ =	sdelay $0x5  }
0xc4: {  	s28 =	sadd.s32 $0x1, s28  }
0xc5: {  	p0 =	sne.s32 s28, $0x4  }
.Ltmp1:
0xc6: {  	_ = 	snop;
	(pc) =	sbr.rel @p0 .LBB2_3-.Ltmp1, $3  }
0xc7: {  	v0 =	vpop (erf)  }
0xc8: {  	v0 =	vmul.f32 $2.000000000e+01, v0;
	_ =	sdelay $0x1  }
0xc9: {  	[tilespmem:s29+$0x9600] =	vst v0  }
0xca: {  	s0 =	sor.u32 s5, s25;
	s24 =	sadd.s32 $0x1, s24  }
0xcb: {  	s0 =	sshrl.u32 s0, $0x3;
	p0 =	sne.s32 s24, $0x8  }
.Ltmp2:
0xcc: {  	s0 =	sadd.s32 s1, s0;
	(pc) =	sbr.rel @p0 .LBB2_2-.Ltmp2, $4  }
0xcd: {  	[hbm4b:s0+s3] =	stream.linear.scatter [tilespmem:s22], [sflag:$0x2], $0x40, $0x38;
	[tilespmem:$0x9640] =	vst v63  }
0xce: {  	_ =	swait.ge [sflag:s12], $0x40  }
0xcf: {  	[sflag:s12] =	ssyncset.done $0x0  }
0xd0: {  	[sflag:s12] =	ssyncadd.s32 $0xFFFFFFC0  }
0xd1: {  	s23 =	sadd.s32 $0x1, s23  }
0xd2: {  	p0 =	sne.s32 s23, s11  }
.Ltmp3:
0xd3: {  	_ = 	snop;
	(pc) =	sbr.rel @p0 .LBB2_1-.Ltmp3, $1  }
0xd4: {  	_ =	sdelay $0x3  }
0xd5: {  	_ =	sfence.sel $0x180000  }
0xd6: {  	[bflag:$0x0] =	sbarrier.arrive $0xFFFF  }
0xd7: {  	_ =	strace $0x90000047  }
0xd8: {  	[bflag:$0x2] =	sbarrier.arrive $0xFFFF  }
0xd9: {  	p0 =	sne.s32 s2, $0x0;
	s0 =	rddreg [dreg:$0x5]  }
0xda: {  	s0 =	sadd.s32 @!p0 $0x100000, s0  }
0xdb: {  	[sflag:s0] =	ssyncadd.tile.s32 @!p0 $0x1;
	_ =	shalt  }
.Lfunc_end2:
_tile_overlayer_lowered:
.L_overlay_start_2:
0xdc: {  	(tag) =	ssettag $0x2  }
0xdd: {  	s0 =	rddreg [dreg:$0x0];
	s2 =	stileid.u32  }
0xde: {  	s1 =	rddreg [dreg:$0x1];
	p0 =	sne.s32 s2, $0x0  }
0xdf: {  	s3 =	rddreg [dreg:$0x2];
	[bflag:$0x3] =	sbarrier.arrive $0xFFFF;
	s2 =	simm.s32 @!p0 $0x1C02  }
0xe0: {  	[timem:s3], [sflag:s2] =	dma.local @!p0 [hbm:s0], s1  }
0xe1: {  	s0 =	simm.s32 @!p0 $0x2  }
0xe2: {  	_ =	swait.ge @!p0 [sflag:s0], s1  }
0xe3: {  	s1 =	ssub.s32 @!p0 $0x0, s1;
	[sflag:s0] =	ssyncset.done @!p0 $0x0  }
0xe4: {  	[sflag:s0] =	ssyncadd.s32 @!p0 s1  }
0xe5: {  	[bflag:$0x3] =	sbarrier.arrive $0xFFFF  }
0xe6: {  	_ =	shalt  }

</sc_bundles>
